<compile_context>
chip_gen: v7x
topology: tpu7x:2x2x1
jax: 0.10.2.dev20260603
libtpu: 0.0.44.dev20260713+nightly
codegen_flags: <defaults>
</compile_context>

<pallas_src>
import functools

import jax
import jax.numpy as jnp
from jax import lax
from jax.experimental import pallas as pl
from jax.experimental.pallas import tpu as pltpu
from jax.experimental.pallas import tpu_sc as plsc

N_NODES = 10000
N_EDGES = 320000
ND = 128
ED = 128
HID = 256

NC, NS = 2, 16
NW = NC * NS
E_PER_W = N_EDGES // NW
CHUNK = 80
N_CHUNKS = E_PER_W // CHUNK
N_PAD = 10240
ROWS_PER_TILE = N_PAD // NS

_MESH = plsc.VectorSubcoreMesh(
    core_axis_name="c", subcore_axis_name="s", num_cores=NC, num_subcores=NS)

_EPS = 1e-5


@functools.partial(
    pl.kernel,
    out_type=[
        jax.ShapeDtypeStruct((N_EDGES, ND), jnp.float32),
        jax.ShapeDtypeStruct((N_EDGES, ND), jnp.float32),
    ],
    mesh=_MESH,
    scratch_types=[
        pltpu.VMEM((CHUNK,), jnp.int32),
        pltpu.VMEM((CHUNK,), jnp.int32),
        pltpu.VMEM((CHUNK, ND), jnp.float32),
        pltpu.VMEM((CHUNK, ND), jnp.float32),
        pltpu.SemaphoreType.DMA,
        pltpu.SemaphoreType.DMA,
    ],
)
def _gather_sc(senders, receivers, nodes, s_out, r_out,
               sidx_v, ridx_v, srow_v, rrow_v, ssem, rsem):
    wid = lax.axis_index("s") * NC + lax.axis_index("c")
    base = wid * E_PER_W

    @pl.loop(0, N_CHUNKS)
    def _(i):
        off = base + i * CHUNK
        pltpu.sync_copy(senders.at[pl.ds(off, CHUNK)], sidx_v)
        pltpu.sync_copy(receivers.at[pl.ds(off, CHUNK)], ridx_v)
        cs = pltpu.async_copy(nodes.at[sidx_v], srow_v, ssem)
        cr = pltpu.async_copy(nodes.at[ridx_v], rrow_v, rsem)
        cs.wait()
        cr.wait()
        pltpu.sync_copy(srow_v, s_out.at[pl.ds(off, CHUNK)])
        pltpu.sync_copy(rrow_v, r_out.at[pl.ds(off, CHUNK)])


@functools.partial(
    pl.kernel,
    out_type=jax.ShapeDtypeStruct((NC, N_PAD, ED), jnp.float32),
    mesh=_MESH,
    scratch_types=[
        pltpu.VMEM((CHUNK,), jnp.int32),
        pltpu.VMEM((CHUNK, ED), jnp.float32),
        pltpu.VMEM_SHARED((N_PAD, ED), jnp.float32),
    ],
)
def _scatter_sc(receivers, msgs, zeros, agg_out, idx_v, row_v, acc):
    cid = lax.axis_index("c")
    sid = lax.axis_index("s")
    wid = sid * NC + cid
    stripe = sid * ROWS_PER_TILE
    pltpu.sync_copy(zeros.at[pl.ds(stripe, ROWS_PER_TILE)],
                    acc.at[pl.ds(stripe, ROWS_PER_TILE)])
    plsc.subcore_barrier()

    base = wid * E_PER_W

    @pl.loop(0, N_CHUNKS)
    def _(i):
        off = base + i * CHUNK
        pltpu.sync_copy(receivers.at[pl.ds(off, CHUNK)], idx_v)
        pltpu.sync_copy(msgs.at[pl.ds(off, CHUNK)], row_v)
        pltpu.sync_copy(row_v, acc.at[idx_v], add=True)

    plsc.subcore_barrier()
    pltpu.sync_copy(acc.at[pl.ds(stripe, ROWS_PER_TILE)],
                    agg_out.at[cid, pl.ds(stripe, ROWS_PER_TILE)])


def _edge_mlp_body(e_ref, s_ref, r_ref, we_e, we_s, we_r, be1, gg, gb,
                   we2, be2, out_ref):
    x = (jnp.dot(e_ref[...], we_e[...], preferred_element_type=jnp.float32,
                 precision=lax.Precision.HIGHEST)
         + jnp.dot(s_ref[...], we_s[...], preferred_element_type=jnp.float32,
                   precision=lax.Precision.HIGHEST)
         + jnp.dot(r_ref[...], we_r[...], preferred_element_type=jnp.float32,
                   precision=lax.Precision.HIGHEST)
         + be1[...])
    m = jnp.mean(x, axis=-1, keepdims=True)
    v = jnp.mean((x - m) * (x - m), axis=-1, keepdims=True)
    h = (x - m) * lax.rsqrt(v + _EPS) * gg[...] + gb[...]
    h = jnp.maximum(h, 0.0)
    out_ref[...] = (jnp.dot(h, we2[...], preferred_element_type=jnp.float32,
                            precision=lax.Precision.HIGHEST) + be2[...])


_EBLK = 2000


def _edge_mlp(edges_ac, s_feat, r_feat, we_e, we_s, we_r, be1, gg, gb,
              we2, be2):
    grid = (N_EDGES // _EBLK,)
    blk = lambda i: (i, 0)
    full = lambda i: (0, 0)
    return pl.pallas_call(
        _edge_mlp_body,
        grid=grid,
        in_specs=[
            pl.BlockSpec((_EBLK, ED), blk),
            pl.BlockSpec((_EBLK, ND), blk),
            pl.BlockSpec((_EBLK, ND), blk),
            pl.BlockSpec((ED, HID), full),
            pl.BlockSpec((ND, HID), full),
            pl.BlockSpec((ND, HID), full),
            pl.BlockSpec((1, HID), full),
            pl.BlockSpec((1, HID), full),
            pl.BlockSpec((1, HID), full),
            pl.BlockSpec((HID, ED), full),
            pl.BlockSpec((1, ED), full),
        ],
        out_specs=pl.BlockSpec((_EBLK, ED), blk),
        out_shape=jax.ShapeDtypeStruct((N_EDGES, ED), jnp.float32),
    )(edges_ac, s_feat, r_feat, we_e, we_s, we_r, be1, gg, gb, we2, be2)


def _node_mlp_body(n_ref, a0_ref, a1_ref, wn_n, wn_a, bn1, gg, gb,
                   wn2, bn2, out_ref):
    agg = a0_ref[...] + a1_ref[...]
    x = (jnp.dot(n_ref[...], wn_n[...], preferred_element_type=jnp.float32,
                 precision=lax.Precision.HIGHEST)
         + jnp.dot(agg, wn_a[...], preferred_element_type=jnp.float32,
                   precision=lax.Precision.HIGHEST)
         + bn1[...])
    m = jnp.mean(x, axis=-1, keepdims=True)
    v = jnp.mean((x - m) * (x - m), axis=-1, keepdims=True)
    h = (x - m) * lax.rsqrt(v + _EPS) * gg[...] + gb[...]
    h = jnp.maximum(h, 0.0)
    out_ref[...] = (jnp.dot(h, wn2[...], preferred_element_type=jnp.float32,
                            precision=lax.Precision.HIGHEST) + bn2[...])


_NBLK = 1000


def _node_mlp(nodes, agg0, agg1, wn_n, wn_a, bn1, gg, gb, wn2, bn2):
    grid = (N_NODES // _NBLK,)
    blk = lambda i: (i, 0)
    full = lambda i: (0, 0)
    return pl.pallas_call(
        _node_mlp_body,
        grid=grid,
        in_specs=[
            pl.BlockSpec((_NBLK, ND), blk),
            pl.BlockSpec((_NBLK, ED), blk),
            pl.BlockSpec((_NBLK, ED), blk),
            pl.BlockSpec((ND, HID), full),
            pl.BlockSpec((ED, HID), full),
            pl.BlockSpec((1, HID), full),
            pl.BlockSpec((1, HID), full),
            pl.BlockSpec((1, HID), full),
            pl.BlockSpec((HID, ND), full),
            pl.BlockSpec((1, ND), full),
        ],
        out_specs=pl.BlockSpec((_NBLK, ND), blk),
        out_shape=jax.ShapeDtypeStruct((N_NODES, ND), jnp.float32),
    )(nodes, agg0, agg1, wn_n, wn_a, bn1, gg, gb, wn2, bn2)


def kernel(nodes_bus, edges_ac, edge_index, We1, be1, ge_g, ge_b, We2, be2,
           Wn1, bn1, gn_g, gn_b, Wn2, bn2):
    senders = edge_index[0]
    receivers = edge_index[1]

    s_feat, r_feat = _gather_sc(senders, receivers, nodes_bus)

    updated_edges = _edge_mlp(
        edges_ac, s_feat, r_feat,
        We1[:ED], We1[ED:ED + ND], We1[ED + ND:],
        be1.reshape(1, HID), ge_g.reshape(1, HID), ge_b.reshape(1, HID),
        We2, be2.reshape(1, ED))

    zeros = jnp.zeros((N_PAD, ED), jnp.float32)
    agg = _scatter_sc(receivers, updated_edges, zeros)

    updated_nodes = _node_mlp(
        nodes_bus, agg[0], agg[1],
        Wn1[:ND], Wn1[ND:],
        bn1.reshape(1, HID), gn_g.reshape(1, HID), gn_b.reshape(1, HID),
        Wn2, bn2.reshape(1, ND))

    return (updated_nodes, updated_edges)

# --- scband reference (transcript-rebuilt; emitter-appended) ---
"""Pipeline reference for scband-interaction-network-52037823758780 (READ-ONLY COPY).

The authoritative reference and input builder live on the scoring server;
editing this copy changes nothing except your own understanding.
"""

import jax, jax.numpy as jnp
import numpy as np

N_NODES = 10000
N_EDGES = 320000
NODE_DIM = 128
EDGE_DIM = 128
HIDDEN = 256


def layer_norm(x, g, b, eps=1e-5):
    m = jnp.mean(x, axis=-1, keepdims=True)
    v = jnp.var(x, axis=-1, keepdims=True)
    return (x - m) / jnp.sqrt(v + eps) * g + b


def setup_inputs(seed: int = 0) -> dict:
    key = jax.random.key(seed)
    ks = jax.random.split(key, 12)

    def lin(k, fan_in, shape):
        bound = 1.0 / np.sqrt(fan_in)
        return jax.random.uniform(k, shape, jnp.float32, -bound, bound)

    inp = {}
    inp["nodes_bus"] = jax.random.normal(ks[0], (N_NODES, NODE_DIM), jnp.float32)
    inp["edges_ac"] = jax.random.normal(ks[1], (N_EDGES, EDGE_DIM), jnp.float32)
    inp["edge_index"] = jax.random.randint(ks[2], (2, N_EDGES), 0, N_NODES, jnp.int32)
    e_in = EDGE_DIM + 2 * NODE_DIM
    inp["We1"] = lin(ks[3], e_in, (e_in, HIDDEN))
    inp["be1"] = lin(ks[4], e_in, (HIDDEN,))
    inp["ge_g"] = jnp.ones((HIDDEN,), jnp.float32)
    inp["ge_b"] = jnp.zeros((HIDDEN,), jnp.float32)
    inp["We2"] = lin(ks[5], HIDDEN, (HIDDEN, EDGE_DIM))
    inp["be2"] = lin(ks[6], HIDDEN, (EDGE_DIM,))
    n_in = 2 * NODE_DIM
    inp["Wn1"] = lin(ks[7], n_in, (n_in, HIDDEN))
    inp["bn1"] = lin(ks[8], n_in, (HIDDEN,))
    inp["gn_g"] = jnp.ones((HIDDEN,), jnp.float32)
    inp["gn_b"] = jnp.zeros((HIDDEN,), jnp.float32)
    inp["Wn2"] = lin(ks[9], HIDDEN, (HIDDEN, NODE_DIM))
    inp["bn2"] = lin(ks[10], HIDDEN, (NODE_DIM,))
    return inp


def reference(nodes_bus, edges_ac, edge_index, We1, be1, ge_g, ge_b, We2, be2,
              Wn1, bn1, gn_g, gn_b, Wn2, bn2):
    senders = edge_index[0]
    receivers = edge_index[1]
    # EdgeUpdate for edge type ('bus','ac_line','bus') with edge feats
    sender_features = jnp.take(nodes_bus, senders, axis=0)
    receiver_features = jnp.take(nodes_bus, receivers, axis=0)
    x = jnp.concatenate([edges_ac, sender_features, receiver_features], axis=-1)
    h = layer_norm(x @ We1 + be1, ge_g, ge_b)
    updated_edges = jax.nn.relu(h) @ We2 + be2
    # scatter_add messages to receiver nodes
    agg = jnp.zeros((nodes_bus.shape[0], updated_edges.shape[-1]),
                    updated_edges.dtype).at[receivers].add(updated_edges)
    # NodeUpdate for node type 'bus'
    xn = jnp.concatenate([nodes_bus, agg], axis=-1)
    hn = layer_norm(xn @ Wn1 + bn1, gn_g, gn_b)
    updated_nodes = jax.nn.relu(hn) @ Wn2 + bn2
    return (updated_nodes, updated_edges)

if __name__ == "__main__":
    import jax
    _d = setup_inputs()
    print(jax.jit(kernel)(*tuple(_d.values())))

</pallas_src>

<mosaic_0001>
#map = affine_map<(d0, d1) -> (0)>
#map1 = affine_map<(d0, d1) -> (0, 0)>
module attributes {stable_mosaic.version = 14 : i64} {
  func.func @_gather_sc(%arg0: i32, %arg1: i32, %arg2: memref<320000xi32, #tpu.memory_space<hbm>>, %arg3: memref<320000xi32, #tpu.memory_space<hbm>>, %arg4: memref<10000x128xf32, #tpu.memory_space<hbm>>, %arg5: memref<320000x128xf32, #tpu.memory_space<hbm>>, %arg6: memref<320000x128xf32, #tpu.memory_space<hbm>>, %arg7: memref<80xi32, #tpu.memory_space<vmem>>, %arg8: memref<80xi32, #tpu.memory_space<vmem>>, %arg9: memref<80x128xf32, #tpu.memory_space<vmem>>, %arg10: memref<80x128xf32, #tpu.memory_space<vmem>>, %arg11: memref<!tpu.dma_semaphore, #tpu.memory_space<semaphore_mem>>, %arg12: memref<!tpu.dma_semaphore, #tpu.memory_space<semaphore_mem>>) attributes {dimension_semantics = [#tpu.dimension_semantics<core_parallel>, #tpu.dimension_semantics<subcore_parallel>], iteration_bounds = array<i64: 2, 16>, scalar_prefetch = 0 : i64, scratch_operands = 6 : i64, tpu.core_type = #tpu.core_type<sc_vector_subcore>, window_params = [{transform_indices = #map}, {transform_indices = #map}, {transform_indices = #map1}, {transform_indices = #map1}, {transform_indices = #map1}]} {
    %mul3A = arith.constant 2 : i32
    %mul3A_0 = arith.muli %arg1, %mul3A : i32
    %add3A = arith.addi %mul3A_0, %arg0 : i32
    %mul3A_1 = arith.constant 10000 : i32
    %mul3A_2 = arith.muli %add3A, %mul3A_1 : i32
    %scan3A = arith.constant 0 : i32
    %scan3A_3 = arith.constant 125 : i32
    %scan3A_4 = arith.addi %scan3A, %scan3A_3 : i32
    %scan3A_5 = arith.constant 1 : i32
    scf.for %scan3A_7 = %scan3A to %scan3A_4 step %scan3A_5  : i32 {
      %mul3A_8 = arith.constant 1 : i32
      %mul3A_9 = arith.muli %scan3A_7, %mul3A_8 : i32
      %add3A_10 = arith.constant 0 : i32
      %add3A_11 = arith.addi %add3A_10, %mul3A_9 : i32
      %mul3A_12 = arith.constant 80 : i32
      %mul3A_13 = arith.muli %add3A_11, %mul3A_12 : i32
      %add3A_14 = arith.addi %mul3A_2, %mul3A_13 : i32
      "tpu.region"() ({
        %run_scoped3A = tpu.sem_alloc : memref<!tpu.dma_semaphore, #tpu.memory_space<semaphore_mem>>
        %dma_start3A_25 = tpu.memref_slice %arg2[%add3A_14] : memref<320000xi32, #tpu.memory_space<hbm>> -> memref<80xi32, #tpu.memory_space<hbm>>
        %dma_start3A_26 = tpu.memref_slice %arg2[%add3A_14] : memref<320000xi32, #tpu.memory_space<hbm>> -> memref<80xi32, #tpu.memory_space<hbm>>
        tpu.enqueue_dma source(%dma_start3A_26 : memref<80xi32, #tpu.memory_space<hbm>>) target(%arg7 : memref<80xi32, #tpu.memory_space<vmem>>) target_semaphore(%run_scoped3A : memref<!tpu.dma_semaphore, #tpu.memory_space<semaphore_mem>>)
        %dma_wait3A_27 = tpu.memref_slice %arg2[%add3A_14] : memref<320000xi32, #tpu.memory_space<hbm>> -> memref<80xi32, #tpu.memory_space<hbm>>
        %dma_wait3A_28 = tpu.memref_slice %arg2[%add3A_14] : memref<320000xi32, #tpu.memory_space<hbm>> -> memref<80xi32, #tpu.memory_space<hbm>>
        tpu.wait_dma2 semaphore(%run_scoped3A : memref<!tpu.dma_semaphore, #tpu.memory_space<semaphore_mem>>) src(%dma_wait3A_28 : memref<80xi32, #tpu.memory_space<hbm>>) dst(%arg7 : memref<80xi32, #tpu.memory_space<vmem>>)
        tpu.yield
      }) : () -> ()
      "tpu.region"() ({
        %run_scoped3A = tpu.sem_alloc : memref<!tpu.dma_semaphore, #tpu.memory_space<semaphore_mem>>
        %dma_start3A_25 = tpu.memref_slice %arg3[%add3A_14] : memref<320000xi32, #tpu.memory_space<hbm>> -> memref<80xi32, #tpu.memory_space<hbm>>
        %dma_start3A_26 = tpu.memref_slice %arg3[%add3A_14] : memref<320000xi32, #tpu.memory_space<hbm>> -> memref<80xi32, #tpu.memory_space<hbm>>
        tpu.enqueue_dma source(%dma_start3A_26 : memref<80xi32, #tpu.memory_space<hbm>>) target(%arg8 : memref<80xi32, #tpu.memory_space<vmem>>) target_semaphore(%run_scoped3A : memref<!tpu.dma_semaphore, #tpu.memory_space<semaphore_mem>>)
        %dma_wait3A_27 = tpu.memref_slice %arg3[%add3A_14] : memref<320000xi32, #tpu.memory_space<hbm>> -> memref<80xi32, #tpu.memory_space<hbm>>
        %dma_wait3A_28 = tpu.memref_slice %arg3[%add3A_14] : memref<320000xi32, #tpu.memory_space<hbm>> -> memref<80xi32, #tpu.memory_space<hbm>>
        tpu.wait_dma2 semaphore(%run_scoped3A : memref<!tpu.dma_semaphore, #tpu.memory_space<semaphore_mem>>) src(%dma_wait3A_28 : memref<80xi32, #tpu.memory_space<hbm>>) dst(%arg8 : memref<80xi32, #tpu.memory_space<vmem>>)
        tpu.yield
      }) : () -> ()
      %dma_start3A = arith.constant 0 : i32
      %dma_start3A_15 = arith.constant 0 : i32
      %dma_start3A_16 = tpu.memref_slice %arg4[%dma_start3A, %dma_start3A_15] : memref<10000x128xf32, #tpu.memory_space<hbm>> -> memref<10000x128xf32, #tpu.memory_space<hbm>>
      tpu.enqueue_indirect_dma source(%dma_start3A_16 : memref<10000x128xf32, #tpu.memory_space<hbm>>) target(%arg9 : memref<80x128xf32, #tpu.memory_space<vmem>>) offsets(%arg7 : memref<80xi32, #tpu.memory_space<vmem>>) semaphore(%arg11 : memref<!tpu.dma_semaphore, #tpu.memory_space<semaphore_mem>>)
      %dma_start3A_17 = arith.constant 0 : i32
      %dma_start3A_18 = arith.constant 0 : i32
      %dma_start3A_19 = tpu.memref_slice %arg4[%dma_start3A_17, %dma_start3A_18] : memref<10000x128xf32, #tpu.memory_space<hbm>> -> memref<10000x128xf32, #tpu.memory_space<hbm>>
      tpu.enqueue_indirect_dma source(%dma_start3A_19 : memref<10000x128xf32, #tpu.memory_space<hbm>>) target(%arg10 : memref<80x128xf32, #tpu.memory_space<vmem>>) offsets(%arg8 : memref<80xi32, #tpu.memory_space<vmem>>) semaphore(%arg12 : memref<!tpu.dma_semaphore, #tpu.memory_space<semaphore_mem>>)
      %dma_wait3A = arith.constant 0 : i32
      %dma_wait3A_20 = arith.constant 0 : i32
      %dma_wait3A_21 = tpu.memref_slice %arg4[%dma_wait3A, %dma_wait3A_20] : memref<10000x128xf32, #tpu.memory_space<hbm>> -> memref<10000x128xf32, #tpu.memory_space<hbm>>
      tpu.wait_indirect_dma semaphore(%arg11 : memref<!tpu.dma_semaphore, #tpu.memory_space<semaphore_mem>>) src(%dma_wait3A_21 : memref<10000x128xf32, #tpu.memory_space<hbm>>) dst(%arg9 : memref<80x128xf32, #tpu.memory_space<vmem>>)
      %dma_wait3A_22 = arith.constant 0 : i32
      %dma_wait3A_23 = arith.constant 0 : i32
      %dma_wait3A_24 = tpu.memref_slice %arg4[%dma_wait3A_22, %dma_wait3A_23] : memref<10000x128xf32, #tpu.memory_space<hbm>> -> memref<10000x128xf32, #tpu.memory_space<hbm>>
      tpu.wait_indirect_dma semaphore(%arg12 : memref<!tpu.dma_semaphore, #tpu.memory_space<semaphore_mem>>) src(%dma_wait3A_24 : memref<10000x128xf32, #tpu.memory_space<hbm>>) dst(%arg10 : memref<80x128xf32, #tpu.memory_space<vmem>>)
      "tpu.region"() ({
        %run_scoped3A = tpu.sem_alloc : memref<!tpu.dma_semaphore, #tpu.memory_space<semaphore_mem>>
        %dma_start3A_25 = arith.constant 0 : i32
        %dma_start3A_26 = tpu.memref_slice %arg5[%add3A_14, %dma_start3A_25] : memref<320000x128xf32, #tpu.memory_space<hbm>> -> memref<80x128xf32, #tpu.memory_space<hbm>>
        %dma_start3A_27 = arith.constant 0 : i32
        %dma_start3A_28 = tpu.memref_slice %arg5[%add3A_14, %dma_start3A_27] : memref<320000x128xf32, #tpu.memory_space<hbm>> -> memref<80x128xf32, #tpu.memory_space<hbm>>
        tpu.enqueue_dma source(%arg9 : memref<80x128xf32, #tpu.memory_space<vmem>>) target(%dma_start3A_28 : memref<80x128xf32, #tpu.memory_space<hbm>>) target_semaphore(%run_scoped3A : memref<!tpu.dma_semaphore, #tpu.memory_space<semaphore_mem>>)
        %dma_wait3A_29 = arith.constant 0 : i32
        %dma_wait3A_30 = tpu.memref_slice %arg5[%add3A_14, %dma_wait3A_29] : memref<320000x128xf32, #tpu.memory_space<hbm>> -> memref<80x128xf32, #tpu.memory_space<hbm>>
        %dma_wait3A_31 = arith.constant 0 : i32
        %dma_wait3A_32 = tpu.memref_slice %arg5[%add3A_14, %dma_wait3A_31] : memref<320000x128xf32, #tpu.memory_space<hbm>> -> memref<80x128xf32, #tpu.memory_space<hbm>>
        tpu.wait_dma2 semaphore(%run_scoped3A : memref<!tpu.dma_semaphore, #tpu.memory_space<semaphore_mem>>) src(%arg9 : memref<80x128xf32, #tpu.memory_space<vmem>>) dst(%dma_wait3A_32 : memref<80x128xf32, #tpu.memory_space<hbm>>)
        tpu.yield
      }) : () -> ()
      "tpu.region"() ({
        %run_scoped3A = tpu.sem_alloc : memref<!tpu.dma_semaphore, #tpu.memory_space<semaphore_mem>>
        %dma_start3A_25 = arith.constant 0 : i32
        %dma_start3A_26 = tpu.memref_slice %arg6[%add3A_14, %dma_start3A_25] : memref<320000x128xf32, #tpu.memory_space<hbm>> -> memref<80x128xf32, #tpu.memory_space<hbm>>
        %dma_start3A_27 = arith.constant 0 : i32
        %dma_start3A_28 = tpu.memref_slice %arg6[%add3A_14, %dma_start3A_27] : memref<320000x128xf32, #tpu.memory_space<hbm>> -> memref<80x128xf32, #tpu.memory_space<hbm>>
        tpu.enqueue_dma source(%arg10 : memref<80x128xf32, #tpu.memory_space<vmem>>) target(%dma_start3A_28 : memref<80x128xf32, #tpu.memory_space<hbm>>) target_semaphore(%run_scoped3A : memref<!tpu.dma_semaphore, #tpu.memory_space<semaphore_mem>>)
        %dma_wait3A_29 = arith.constant 0 : i32
        %dma_wait3A_30 = tpu.memref_slice %arg6[%add3A_14, %dma_wait3A_29] : memref<320000x128xf32, #tpu.memory_space<hbm>> -> memref<80x128xf32, #tpu.memory_space<hbm>>
        %dma_wait3A_31 = arith.constant 0 : i32
        %dma_wait3A_32 = tpu.memref_slice %arg6[%add3A_14, %dma_wait3A_31] : memref<320000x128xf32, #tpu.memory_space<hbm>> -> memref<80x128xf32, #tpu.memory_space<hbm>>
        tpu.wait_dma2 semaphore(%run_scoped3A : memref<!tpu.dma_semaphore, #tpu.memory_space<semaphore_mem>>) src(%arg10 : memref<80x128xf32, #tpu.memory_space<vmem>>) dst(%dma_wait3A_32 : memref<80x128xf32, #tpu.memory_space<hbm>>)
        tpu.yield
      }) : () -> ()
    }
    %scan3A_6 = arith.constant 125 : i32
    return
  }
}

#map = affine_map<(d0, d1) -> (0)>
#map1 = affine_map<(d0, d1) -> (0, 0)>
#map2 = affine_map<(d0, d1) -> (0, 0, 0)>
module attributes {stable_mosaic.version = 14 : i64} {
  func.func @_scatter_sc(%arg0: i32, %arg1: i32, %arg2: memref<320000xi32, #tpu.memory_space<hbm>>, %arg3: memref<320000x128xf32, #tpu.memory_space<hbm>>, %arg4: memref<10240x128xf32, #tpu.memory_space<hbm>>, %arg5: memref<2x10240x128xf32, #tpu.memory_space<hbm>>, %arg6: memref<80xi32, #tpu.memory_space<vmem>>, %arg7: memref<80x128xf32, #tpu.memory_space<vmem>>, %arg8: memref<10240x128xf32, #tpu.memory_space<vmem_shared>>) attributes {dimension_semantics = [#tpu.dimension_semantics<core_parallel>, #tpu.dimension_semantics<subcore_parallel>], iteration_bounds = array<i64: 2, 16>, scalar_prefetch = 0 : i64, scratch_operands = 3 : i64, tpu.core_type = #tpu.core_type<sc_vector_subcore>, window_params = [{transform_indices = #map}, {transform_indices = #map1}, {transform_indices = #map1}, {transform_indices = #map2}]} {
    %mul3A = arith.constant 2 : i32
    %mul3A_0 = arith.muli %arg1, %mul3A : i32
    %add3A = arith.addi %mul3A_0, %arg0 : i32
    %mul3A_1 = arith.constant 640 : i32
    %mul3A_2 = arith.muli %arg1, %mul3A_1 : i32
    "tpu.region"() ({
      %run_scoped3A = tpu.sem_alloc : memref<!tpu.dma_semaphore, #tpu.memory_space<semaphore_mem>>
      %dma_start3A = arith.constant 0 : i32
      %dma_start3A_10 = tpu.memref_slice %arg8[%mul3A_2, %dma_start3A] : memref<10240x128xf32, #tpu.memory_space<vmem_shared>> -> memref<640x128xf32, #tpu.memory_space<vmem_shared>>
      %dma_start3A_11 = arith.constant 0 : i32
      %dma_start3A_12 = tpu.memref_slice %arg4[%mul3A_2, %dma_start3A_11] : memref<10240x128xf32, #tpu.memory_space<hbm>> -> memref<640x128xf32, #tpu.memory_space<hbm>>
      tpu.enqueue_dma source(%dma_start3A_12 : memref<640x128xf32, #tpu.memory_space<hbm>>) target(%dma_start3A_10 : memref<640x128xf32, #tpu.memory_space<vmem_shared>>) target_semaphore(%run_scoped3A : memref<!tpu.dma_semaphore, #tpu.memory_space<semaphore_mem>>)
      %dma_wait3A = arith.constant 0 : i32
      %dma_wait3A_13 = tpu.memref_slice %arg8[%mul3A_2, %dma_wait3A] : memref<10240x128xf32, #tpu.memory_space<vmem_shared>> -> memref<640x128xf32, #tpu.memory_space<vmem_shared>>
      %dma_wait3A_14 = arith.constant 0 : i32
      %dma_wait3A_15 = tpu.memref_slice %arg4[%mul3A_2, %dma_wait3A_14] : memref<10240x128xf32, #tpu.memory_space<hbm>> -> memref<640x128xf32, #tpu.memory_space<hbm>>
      tpu.wait_dma2 semaphore(%run_scoped3A : memref<!tpu.dma_semaphore, #tpu.memory_space<semaphore_mem>>) src(%dma_wait3A_15 : memref<640x128xf32, #tpu.memory_space<hbm>>) dst(%dma_wait3A_13 : memref<640x128xf32, #tpu.memory_space<vmem_shared>>)
      tpu.yield
    }) : () -> ()
    %barrier3A = arith.constant 0 : index
    tpu.barrier barrier_id(%barrier3A)
    %mul3A_3 = arith.constant 10000 : i32
    %mul3A_4 = arith.muli %add3A, %mul3A_3 : i32
    %scan3A = arith.constant 0 : i32
    %scan3A_5 = arith.constant 125 : i32
    %scan3A_6 = arith.addi %scan3A, %scan3A_5 : i32
    %scan3A_7 = arith.constant 1 : i32
    scf.for %scan3A_10 = %scan3A to %scan3A_6 step %scan3A_7  : i32 {
      %mul3A_11 = arith.constant 1 : i32
      %mul3A_12 = arith.muli %scan3A_10, %mul3A_11 : i32
      %add3A_13 = arith.constant 0 : i32
      %add3A_14 = arith.addi %add3A_13, %mul3A_12 : i32
      %mul3A_15 = arith.constant 80 : i32
      %mul3A_16 = arith.muli %add3A_14, %mul3A_15 : i32
      %add3A_17 = arith.addi %mul3A_4, %mul3A_16 : i32
      "tpu.region"() ({
        %run_scoped3A = tpu.sem_alloc : memref<!tpu.dma_semaphore, #tpu.memory_space<semaphore_mem>>
        %dma_start3A = tpu.memref_slice %arg2[%add3A_17] : memref<320000xi32, #tpu.memory_space<hbm>> -> memref<80xi32, #tpu.memory_space<hbm>>
        %dma_start3A_18 = tpu.memref_slice %arg2[%add3A_17] : memref<320000xi32, #tpu.memory_space<hbm>> -> memref<80xi32, #tpu.memory_space<hbm>>
        tpu.enqueue_dma source(%dma_start3A_18 : memref<80xi32, #tpu.memory_space<hbm>>) target(%arg6 : memref<80xi32, #tpu.memory_space<vmem>>) target_semaphore(%run_scoped3A : memref<!tpu.dma_semaphore, #tpu.memory_space<semaphore_mem>>)
        %dma_wait3A = tpu.memref_slice %arg2[%add3A_17] : memref<320000xi32, #tpu.memory_space<hbm>> -> memref<80xi32, #tpu.memory_space<hbm>>
        %dma_wait3A_19 = tpu.memref_slice %arg2[%add3A_17] : memref<320000xi32, #tpu.memory_space<hbm>> -> memref<80xi32, #tpu.memory_space<hbm>>
        tpu.wait_dma2 semaphore(%run_scoped3A : memref<!tpu.dma_semaphore, #tpu.memory_space<semaphore_mem>>) src(%dma_wait3A_19 : memref<80xi32, #tpu.memory_space<hbm>>) dst(%arg6 : memref<80xi32, #tpu.memory_space<vmem>>)
        tpu.yield
      }) : () -> ()
      "tpu.region"() ({
        %run_scoped3A = tpu.sem_alloc : memref<!tpu.dma_semaphore, #tpu.memory_space<semaphore_mem>>
        %dma_start3A = arith.constant 0 : i32
        %dma_start3A_18 = tpu.memref_slice %arg3[%add3A_17, %dma_start3A] : memref<320000x128xf32, #tpu.memory_space<hbm>> -> memref<80x128xf32, #tpu.memory_space<hbm>>
        %dma_start3A_19 = arith.constant 0 : i32
        %dma_start3A_20 = tpu.memref_slice %arg3[%add3A_17, %dma_start3A_19] : memref<320000x128xf32, #tpu.memory_space<hbm>> -> memref<80x128xf32, #tpu.memory_space<hbm>>
        tpu.enqueue_dma source(%dma_start3A_20 : memref<80x128xf32, #tpu.memory_space<hbm>>) target(%arg7 : memref<80x128xf32, #tpu.memory_space<vmem>>) target_semaphore(%run_scoped3A : memref<!tpu.dma_semaphore, #tpu.memory_space<semaphore_mem>>)
        %dma_wait3A = arith.constant 0 : i32
        %dma_wait3A_21 = tpu.memref_slice %arg3[%add3A_17, %dma_wait3A] : memref<320000x128xf32, #tpu.memory_space<hbm>> -> memref<80x128xf32, #tpu.memory_space<hbm>>
        %dma_wait3A_22 = arith.constant 0 : i32
        %dma_wait3A_23 = tpu.memref_slice %arg3[%add3A_17, %dma_wait3A_22] : memref<320000x128xf32, #tpu.memory_space<hbm>> -> memref<80x128xf32, #tpu.memory_space<hbm>>
        tpu.wait_dma2 semaphore(%run_scoped3A : memref<!tpu.dma_semaphore, #tpu.memory_space<semaphore_mem>>) src(%dma_wait3A_23 : memref<80x128xf32, #tpu.memory_space<hbm>>) dst(%arg7 : memref<80x128xf32, #tpu.memory_space<vmem>>)
        tpu.yield
      }) : () -> ()
      "tpu.region"() ({
        %run_scoped3A = tpu.sem_alloc : memref<!tpu.dma_semaphore, #tpu.memory_space<semaphore_mem>>
        %dma_start3A = arith.constant 0 : i32
        %dma_start3A_18 = arith.constant 0 : i32
        %dma_start3A_19 = tpu.memref_slice %arg8[%dma_start3A, %dma_start3A_18] : memref<10240x128xf32, #tpu.memory_space<vmem_shared>> -> memref<10240x128xf32, #tpu.memory_space<vmem_shared>>
        tpu.enqueue_indirect_dma source(%arg7 : memref<80x128xf32, #tpu.memory_space<vmem>>) target(%dma_start3A_19 : memref<10240x128xf32, #tpu.memory_space<vmem_shared>>) offsets(%arg6 : memref<80xi32, #tpu.memory_space<vmem>>) semaphore(%run_scoped3A : memref<!tpu.dma_semaphore, #tpu.memory_space<semaphore_mem>>) {add = true}
        %dma_wait3A = arith.constant 0 : i32
        %dma_wait3A_20 = arith.constant 0 : i32
        %dma_wait3A_21 = tpu.memref_slice %arg8[%dma_wait3A, %dma_wait3A_20] : memref<10240x128xf32, #tpu.memory_space<vmem_shared>> -> memref<10240x128xf32, #tpu.memory_space<vmem_shared>>
        tpu.wait_indirect_dma semaphore(%run_scoped3A : memref<!tpu.dma_semaphore, #tpu.memory_space<semaphore_mem>>) src(%arg7 : memref<80x128xf32, #tpu.memory_space<vmem>>) dst(%dma_wait3A_21 : memref<10240x128xf32, #tpu.memory_space<vmem_shared>>)
        tpu.yield
      }) : () -> ()
    }
    %scan3A_8 = arith.constant 125 : i32
    %barrier3A_9 = arith.constant 0 : index
    tpu.barrier barrier_id(%barrier3A_9)
    "tpu.region"() ({
      %run_scoped3A = tpu.sem_alloc : memref<!tpu.dma_semaphore, #tpu.memory_space<semaphore_mem>>
      %dma_start3A = arith.constant 0 : i32
      %dma_start3A_10 = tpu.memref_slice %arg5[%arg0, %mul3A_2, %dma_start3A] : memref<2x10240x128xf32, #tpu.memory_space<hbm>> -> memref<1x640x128xf32, #tpu.memory_space<hbm>>
      %dma_start3A_11 = tpu.memref_squeeze %dma_start3A_10 : memref<1x640x128xf32, #tpu.memory_space<hbm>> -> memref<640x128xf32, #tpu.memory_space<hbm>>
      %dma_start3A_12 = arith.constant 0 : i32
      %dma_start3A_13 = tpu.memref_slice %arg8[%mul3A_2, %dma_start3A_12] : memref<10240x128xf32, #tpu.memory_space<vmem_shared>> -> memref<640x128xf32, #tpu.memory_space<vmem_shared>>
      tpu.enqueue_dma source(%dma_start3A_13 : memref<640x128xf32, #tpu.memory_space<vmem_shared>>) target(%dma_start3A_11 : memref<640x128xf32, #tpu.memory_space<hbm>>) target_semaphore(%run_scoped3A : memref<!tpu.dma_semaphore, #tpu.memory_space<semaphore_mem>>)
      %dma_wait3A = arith.constant 0 : i32
      %dma_wait3A_14 = tpu.memref_slice %arg5[%arg0, %mul3A_2, %dma_wait3A] : memref<2x10240x128xf32, #tpu.memory_space<hbm>> -> memref<1x640x128xf32, #tpu.memory_space<hbm>>
      %dma_wait3A_15 = tpu.memref_squeeze %dma_wait3A_14 : memref<1x640x128xf32, #tpu.memory_space<hbm>> -> memref<640x128xf32, #tpu.memory_space<hbm>>
      %dma_wait3A_16 = arith.constant 0 : i32
      %dma_wait3A_17 = tpu.memref_slice %arg8[%mul3A_2, %dma_wait3A_16] : memref<10240x128xf32, #tpu.memory_space<vmem_shared>> -> memref<640x128xf32, #tpu.memory_space<vmem_shared>>
      tpu.wait_dma2 semaphore(%run_scoped3A : memref<!tpu.dma_semaphore, #tpu.memory_space<semaphore_mem>>) src(%dma_wait3A_17 : memref<640x128xf32, #tpu.memory_space<vmem_shared>>) dst(%dma_wait3A_15 : memref<640x128xf32, #tpu.memory_space<hbm>>)
      tpu.yield
    }) : () -> ()
    return
  }
}

module attributes {stable_mosaic.version = 14 : i64} {
  func.func @_edge_mlp_body(%arg0: i32, %arg1: memref<2000x128xf32, #tpu.memory_space<vmem>>, %arg2: memref<2000x128xf32, #tpu.memory_space<vmem>>, %arg3: memref<2000x128xf32, #tpu.memory_space<vmem>>, %arg4: memref<128x256xf32, #tpu.memory_space<vmem>>, %arg5: memref<128x256xf32, #tpu.memory_space<vmem>>, %arg6: memref<128x256xf32, #tpu.memory_space<vmem>>, %arg7: memref<1x256xf32, #tpu.memory_space<vmem>>, %arg8: memref<1x256xf32, #tpu.memory_space<vmem>>, %arg9: memref<1x256xf32, #tpu.memory_space<vmem>>, %arg10: memref<256x128xf32, #tpu.memory_space<vmem>>, %arg11: memref<1x128xf32, #tpu.memory_space<vmem>>, %arg12: memref<2000x128xf32, #tpu.memory_space<vmem>>) attributes {dimension_semantics = [#tpu.dimension_semantics<arbitrary>], iteration_bounds = array<i64: 160>, scalar_prefetch = 0 : i64, scratch_operands = 0 : i64, tpu.core_type = #tpu.core_type<tc>, window_params = [{transform_indices = @transform_0, window_bounds = array<i64: 2000, 128>}, {transform_indices = @transform_1, window_bounds = array<i64: 2000, 128>}, {transform_indices = @transform_2, window_bounds = array<i64: 2000, 128>}, {pipeline_mode = #tpu.pipeline_mode<synchronous>, transform_indices = @transform_3, window_bounds = array<i64: 128, 256>}, {pipeline_mode = #tpu.pipeline_mode<synchronous>, transform_indices = @transform_4, window_bounds = array<i64: 128, 256>}, {pipeline_mode = #tpu.pipeline_mode<synchronous>, transform_indices = @transform_5, window_bounds = array<i64: 128, 256>}, {pipeline_mode = #tpu.pipeline_mode<synchronous>, transform_indices = @transform_6, window_bounds = array<i64: 1, 256>}, {pipeline_mode = #tpu.pipeline_mode<synchronous>, transform_indices = @transform_7, window_bounds = array<i64: 1, 256>}, {pipeline_mode = #tpu.pipeline_mode<synchronous>, transform_indices = @transform_8, window_bounds = array<i64: 1, 256>}, {pipeline_mode = #tpu.pipeline_mode<synchronous>, transform_indices = @transform_9, window_bounds = array<i64: 256, 128>}, {pipeline_mode = #tpu.pipeline_mode<synchronous>, transform_indices = @transform_10, window_bounds = array<i64: 1, 128>}, {transform_indices = @transform_11, window_bounds = array<i64: 2000, 128>}]} {
    %get3A = arith.constant 0 : index
    %get3A_0 = arith.constant 0 : index
    %get3A_1 = vector.load %arg1[%get3A, %get3A_0] : memref<2000x128xf32, #tpu.memory_space<vmem>>, vector<2000x128xf32>
    %get3A_2 = arith.constant 0 : index
    %get3A_3 = arith.constant 0 : index
    %get3A_4 = vector.load %arg4[%get3A_2, %get3A_3] : memref<128x256xf32, #tpu.memory_space<vmem>>, vector<128x256xf32>
    %dot_general3A = arith.constant dense<0.000000e+00> : vector<2000x256xf32>
    %dot_general3A_5 = tpu.matmul %get3A_1, %get3A_4, %dot_general3A {dimension_numbers = #tpu.dot_dimension_numbers<[1], [0], [0], [1], [0, 0, 1, 1], [], []>, precision = #tpu.contract_precision<fp32>, transpose_lhs_hint = false} : vector<2000x128xf32>, vector<128x256xf32>, vector<2000x256xf32> -> vector<2000x256xf32>
    %get3A_6 = arith.constant 0 : index
    %get3A_7 = arith.constant 0 : index
    %get3A_8 = vector.load %arg2[%get3A_6, %get3A_7] : memref<2000x128xf32, #tpu.memory_space<vmem>>, vector<2000x128xf32>
    %get3A_9 = arith.constant 0 : index
    %get3A_10 = arith.constant 0 : index
    %get3A_11 = vector.load %arg5[%get3A_9, %get3A_10] : memref<128x256xf32, #tpu.memory_space<vmem>>, vector<128x256xf32>
    %dot_general3A_12 = arith.constant dense<0.000000e+00> : vector<2000x256xf32>
    %dot_general3A_13 = tpu.matmul %get3A_8, %get3A_11, %dot_general3A_12 {dimension_numbers = #tpu.dot_dimension_numbers<[1], [0], [0], [1], [0, 0, 1, 1], [], []>, precision = #tpu.contract_precision<fp32>, transpose_lhs_hint = false} : vector<2000x128xf32>, vector<128x256xf32>, vector<2000x256xf32> -> vector<2000x256xf32>
    %add3A = arith.addf %dot_general3A_5, %dot_general3A_13 : vector<2000x256xf32>
    %get3A_14 = arith.constant 0 : index
    %get3A_15 = arith.constant 0 : index
    %get3A_16 = vector.load %arg3[%get3A_14, %get3A_15] : memref<2000x128xf32, #tpu.memory_space<vmem>>, vector<2000x128xf32>
    %get3A_17 = arith.constant 0 : index
    %get3A_18 = arith.constant 0 : index
    %get3A_19 = vector.load %arg6[%get3A_17, %get3A_18] : memref<128x256xf32, #tpu.memory_space<vmem>>, vector<128x256xf32>
    %dot_general3A_20 = arith.constant dense<0.000000e+00> : vector<2000x256xf32>
    %dot_general3A_21 = tpu.matmul %get3A_16, %get3A_19, %dot_general3A_20 {dimension_numbers = #tpu.dot_dimension_numbers<[1], [0], [0], [1], [0, 0, 1, 1], [], []>, precision = #tpu.contract_precision<fp32>, transpose_lhs_hint = false} : vector<2000x128xf32>, vector<128x256xf32>, vector<2000x256xf32> -> vector<2000x256xf32>
    %add3A_22 = arith.addf %add3A, %dot_general3A_21 : vector<2000x256xf32>
    %get3A_23 = arith.constant 0 : index
    %get3A_24 = arith.constant 0 : index
    %get3A_25 = vector.load %arg7[%get3A_23, %get3A_24] : memref<1x256xf32, #tpu.memory_space<vmem>>, vector<1x256xf32>
    %add3A_26 = vector.broadcast %get3A_25 : vector<1x256xf32> to vector<2000x256xf32>
    %add3A_27 = arith.addf %add3A_22, %add3A_26 : vector<2000x256xf32>
    %reduce_sum3A = arith.constant dense<0.000000e+00> : vector<2000xf32>
    %reduce_sum3A_28 = vector.multi_reduction <add>, %add3A_27, %reduce_sum3A [1] : vector<2000x256xf32> to vector<2000xf32>
    %broadcast_in_dim3A = vector.shape_cast %reduce_sum3A_28 : vector<2000xf32> to vector<2000x1xf32>
    %div3A = arith.constant 2.560000e+02 : f32
    %div3A_29 = vector.broadcast %div3A : f32 to vector<2000x1xf32>
    %div3A_30 = arith.divf %broadcast_in_dim3A, %div3A_29 : vector<2000x1xf32>
    %sub3A = vector.broadcast %div3A_30 : vector<2000x1xf32> to vector<2000x256xf32>
    %sub3A_31 = arith.subf %add3A_27, %sub3A : vector<2000x256xf32>
    %sub3A_32 = vector.broadcast %div3A_30 : vector<2000x1xf32> to vector<2000x256xf32>
    %sub3A_33 = arith.subf %add3A_27, %sub3A_32 : vector<2000x256xf32>
    %mul3A = arith.mulf %sub3A_31, %sub3A_33 : vector<2000x256xf32>
    %reduce_sum3A_34 = arith.constant dense<0.000000e+00> : vector<2000xf32>
    %reduce_sum3A_35 = vector.multi_reduction <add>, %mul3A, %reduce_sum3A_34 [1] : vector<2000x256xf32> to vector<2000xf32>
    %broadcast_in_dim3A_36 = vector.shape_cast %reduce_sum3A_35 : vector<2000xf32> to vector<2000x1xf32>
    %div3A_37 = arith.constant 2.560000e+02 : f32
    %div3A_38 = vector.broadcast %div3A_37 : f32 to vector<2000x1xf32>
    %div3A_39 = arith.divf %broadcast_in_dim3A_36, %div3A_38 : vector<2000x1xf32>
    %sub3A_40 = vector.broadcast %div3A_30 : vector<2000x1xf32> to vector<2000x256xf32>
    %sub3A_41 = arith.subf %add3A_27, %sub3A_40 : vector<2000x256xf32>
    %add3A_42 = arith.constant 9.99999974E-6 : f32
    %add3A_43 = vector.broadcast %add3A_42 : f32 to vector<2000x1xf32>
    %add3A_44 = arith.addf %div3A_39, %add3A_43 : vector<2000x1xf32>
    %rsqrt3A = math.rsqrt %add3A_44 : vector<2000x1xf32>
    %mul3A_45 = vector.broadcast %rsqrt3A : vector<2000x1xf32> to vector<2000x256xf32>
    %mul3A_46 = arith.mulf %sub3A_41, %mul3A_45 : vector<2000x256xf32>
    %get3A_47 = arith.constant 0 : index
    %get3A_48 = arith.constant 0 : index
    %get3A_49 = vector.load %arg8[%get3A_47, %get3A_48] : memref<1x256xf32, #tpu.memory_space<vmem>>, vector<1x256xf32>
    %mul3A_50 = vector.broadcast %get3A_49 : vector<1x256xf32> to vector<2000x256xf32>
    %mul3A_51 = arith.mulf %mul3A_46, %mul3A_50 : vector<2000x256xf32>
    %get3A_52 = arith.constant 0 : index
    %get3A_53 = arith.constant 0 : index
    %get3A_54 = vector.load %arg9[%get3A_52, %get3A_53] : memref<1x256xf32, #tpu.memory_space<vmem>>, vector<1x256xf32>
    %add3A_55 = vector.broadcast %get3A_54 : vector<1x256xf32> to vector<2000x256xf32>
    %add3A_56 = arith.addf %mul3A_51, %add3A_55 : vector<2000x256xf32>
    %max3A = arith.constant 0.000000e+00 : f32
    %max3A_57 = vector.broadcast %max3A : f32 to vector<2000x256xf32>
    %max3A_58 = arith.maximumf %add3A_56, %max3A_57 : vector<2000x256xf32>
    %get3A_59 = arith.constant 0 : index
    %get3A_60 = arith.constant 0 : index
    %get3A_61 = vector.load %arg10[%get3A_59, %get3A_60] : memref<256x128xf32, #tpu.memory_space<vmem>>, vector<256x128xf32>
    %dot_general3A_62 = arith.constant dense<0.000000e+00> : vector<2000x128xf32>
    %dot_general3A_63 = tpu.matmul %max3A_58, %get3A_61, %dot_general3A_62 {dimension_numbers = #tpu.dot_dimension_numbers<[1], [0], [0], [1], [0, 0, 1, 1], [], []>, precision = #tpu.contract_precision<fp32>, transpose_lhs_hint = false} : vector<2000x256xf32>, vector<256x128xf32>, vector<2000x128xf32> -> vector<2000x128xf32>
    %get3A_64 = arith.constant 0 : index
    %get3A_65 = arith.constant 0 : index
    %get3A_66 = vector.load %arg11[%get3A_64, %get3A_65] : memref<1x128xf32, #tpu.memory_space<vmem>>, vector<1x128xf32>
    %add3A_67 = vector.broadcast %get3A_66 : vector<1x128xf32> to vector<2000x128xf32>
    %add3A_68 = arith.addf %dot_general3A_63, %add3A_67 : vector<2000x128xf32>
    %swap3A = arith.constant 0 : index
    %swap3A_69 = arith.constant 0 : index
    %swap3A_70 = vector.load %arg12[%swap3A, %swap3A_69] : memref<2000x128xf32, #tpu.memory_space<vmem>>, vector<2000x128xf32>
    tpu.vector_store %arg12[%swap3A, %swap3A_69], %add3A_68 {strides = array<i32>} : memref<2000x128xf32, #tpu.memory_space<vmem>>, vector<2000x128xf32>,
    return
  }
  func.func @transform_0(%arg0: i32) -> (i32, i32) {
    %c0_i32 = arith.constant 0 : i32
    %c0_i32_0 = arith.constant 0 : i32
    return %arg0, %c0_i32 : i32, i32
  }
  func.func @transform_1(%arg0: i32) -> (i32, i32) {
    %c0_i32 = arith.constant 0 : i32
    %c0_i32_0 = arith.constant 0 : i32
    return %arg0, %c0_i32 : i32, i32
  }
  func.func @transform_2(%arg0: i32) -> (i32, i32) {
    %c0_i32 = arith.constant 0 : i32
    %c0_i32_0 = arith.constant 0 : i32
    return %arg0, %c0_i32 : i32, i32
  }
  func.func @transform_3(%arg0: i32) -> (i32, i32) {
    %c0_i32 = arith.constant 0 : i32
    %c0_i32_0 = arith.constant 0 : i32
    %c0_i32_1 = arith.constant 0 : i32
    return %c0_i32, %c0_i32_0 : i32, i32
  }
  func.func @transform_4(%arg0: i32) -> (i32, i32) {
    %c0_i32 = arith.constant 0 : i32
    %c0_i32_0 = arith.constant 0 : i32
    %c0_i32_1 = arith.constant 0 : i32
    return %c0_i32, %c0_i32_0 : i32, i32
  }
  func.func @transform_5(%arg0: i32) -> (i32, i32) {
    %c0_i32 = arith.constant 0 : i32
    %c0_i32_0 = arith.constant 0 : i32
    %c0_i32_1 = arith.constant 0 : i32
    return %c0_i32, %c0_i32_0 : i32, i32
  }
  func.func @transform_6(%arg0: i32) -> (i32, i32) {
    %c0_i32 = arith.constant 0 : i32
    %c0_i32_0 = arith.constant 0 : i32
    %c0_i32_1 = arith.constant 0 : i32
    return %c0_i32, %c0_i32_0 : i32, i32
  }
  func.func @transform_7(%arg0: i32) -> (i32, i32) {
    %c0_i32 = arith.constant 0 : i32
    %c0_i32_0 = arith.constant 0 : i32
    %c0_i32_1 = arith.constant 0 : i32
    return %c0_i32, %c0_i32_0 : i32, i32
  }
  func.func @transform_8(%arg0: i32) -> (i32, i32) {
    %c0_i32 = arith.constant 0 : i32
    %c0_i32_0 = arith.constant 0 : i32
    %c0_i32_1 = arith.constant 0 : i32
    return %c0_i32, %c0_i32_0 : i32, i32
  }
  func.func @transform_9(%arg0: i32) -> (i32, i32) {
    %c0_i32 = arith.constant 0 : i32
    %c0_i32_0 = arith.constant 0 : i32
    %c0_i32_1 = arith.constant 0 : i32
    return %c0_i32, %c0_i32_0 : i32, i32
  }
  func.func @transform_10(%arg0: i32) -> (i32, i32) {
    %c0_i32 = arith.constant 0 : i32
    %c0_i32_0 = arith.constant 0 : i32
    %c0_i32_1 = arith.constant 0 : i32
    return %c0_i32, %c0_i32_0 : i32, i32
  }
  func.func @transform_11(%arg0: i32) -> (i32, i32) {
    %c0_i32 = arith.constant 0 : i32
    %c0_i32_0 = arith.constant 0 : i32
    return %arg0, %c0_i32 : i32, i32
  }
}

module attributes {stable_mosaic.version = 14 : i64} {
  func.func @_node_mlp_body(%arg0: i32, %arg1: memref<1000x128xf32, #tpu.memory_space<vmem>>, %arg2: memref<1000x128xf32, #tpu.memory_space<vmem>>, %arg3: memref<1000x128xf32, #tpu.memory_space<vmem>>, %arg4: memref<128x256xf32, #tpu.memory_space<vmem>>, %arg5: memref<128x256xf32, #tpu.memory_space<vmem>>, %arg6: memref<1x256xf32, #tpu.memory_space<vmem>>, %arg7: memref<1x256xf32, #tpu.memory_space<vmem>>, %arg8: memref<1x256xf32, #tpu.memory_space<vmem>>, %arg9: memref<256x128xf32, #tpu.memory_space<vmem>>, %arg10: memref<1x128xf32, #tpu.memory_space<vmem>>, %arg11: memref<1000x128xf32, #tpu.memory_space<vmem>>) attributes {dimension_semantics = [#tpu.dimension_semantics<arbitrary>], iteration_bounds = array<i64: 10>, scalar_prefetch = 0 : i64, scratch_operands = 0 : i64, tpu.core_type = #tpu.core_type<tc>, window_params = [{transform_indices = @transform_0, window_bounds = array<i64: 1000, 128>}, {transform_indices = @transform_1, window_bounds = array<i64: 1000, 128>}, {transform_indices = @transform_2, window_bounds = array<i64: 1000, 128>}, {pipeline_mode = #tpu.pipeline_mode<synchronous>, transform_indices = @transform_3, window_bounds = array<i64: 128, 256>}, {pipeline_mode = #tpu.pipeline_mode<synchronous>, transform_indices = @transform_4, window_bounds = array<i64: 128, 256>}, {pipeline_mode = #tpu.pipeline_mode<synchronous>, transform_indices = @transform_5, window_bounds = array<i64: 1, 256>}, {pipeline_mode = #tpu.pipeline_mode<synchronous>, transform_indices = @transform_6, window_bounds = array<i64: 1, 256>}, {pipeline_mode = #tpu.pipeline_mode<synchronous>, transform_indices = @transform_7, window_bounds = array<i64: 1, 256>}, {pipeline_mode = #tpu.pipeline_mode<synchronous>, transform_indices = @transform_8, window_bounds = array<i64: 256, 128>}, {pipeline_mode = #tpu.pipeline_mode<synchronous>, transform_indices = @transform_9, window_bounds = array<i64: 1, 128>}, {transform_indices = @transform_10, window_bounds = array<i64: 1000, 128>}]} {
    %get3A = arith.constant 0 : index
    %get3A_0 = arith.constant 0 : index
    %get3A_1 = vector.load %arg2[%get3A, %get3A_0] : memref<1000x128xf32, #tpu.memory_space<vmem>>, vector<1000x128xf32>
    %get3A_2 = arith.constant 0 : index
    %get3A_3 = arith.constant 0 : index
    %get3A_4 = vector.load %arg3[%get3A_2, %get3A_3] : memref<1000x128xf32, #tpu.memory_space<vmem>>, vector<1000x128xf32>
    %add3A = arith.addf %get3A_1, %get3A_4 : vector<1000x128xf32>
    %get3A_5 = arith.constant 0 : index
    %get3A_6 = arith.constant 0 : index
    %get3A_7 = vector.load %arg1[%get3A_5, %get3A_6] : memref<1000x128xf32, #tpu.memory_space<vmem>>, vector<1000x128xf32>
    %get3A_8 = arith.constant 0 : index
    %get3A_9 = arith.constant 0 : index
    %get3A_10 = vector.load %arg4[%get3A_8, %get3A_9] : memref<128x256xf32, #tpu.memory_space<vmem>>, vector<128x256xf32>
    %dot_general3A = arith.constant dense<0.000000e+00> : vector<1000x256xf32>
    %dot_general3A_11 = tpu.matmul %get3A_7, %get3A_10, %dot_general3A {dimension_numbers = #tpu.dot_dimension_numbers<[1], [0], [0], [1], [0, 0, 1, 1], [], []>, precision = #tpu.contract_precision<fp32>, transpose_lhs_hint = false} : vector<1000x128xf32>, vector<128x256xf32>, vector<1000x256xf32> -> vector<1000x256xf32>
    %get3A_12 = arith.constant 0 : index
    %get3A_13 = arith.constant 0 : index
    %get3A_14 = vector.load %arg5[%get3A_12, %get3A_13] : memref<128x256xf32, #tpu.memory_space<vmem>>, vector<128x256xf32>
    %dot_general3A_15 = arith.constant dense<0.000000e+00> : vector<1000x256xf32>
    %dot_general3A_16 = tpu.matmul %add3A, %get3A_14, %dot_general3A_15 {dimension_numbers = #tpu.dot_dimension_numbers<[1], [0], [0], [1], [0, 0, 1, 1], [], []>, precision = #tpu.contract_precision<fp32>, transpose_lhs_hint = false} : vector<1000x128xf32>, vector<128x256xf32>, vector<1000x256xf32> -> vector<1000x256xf32>
    %add3A_17 = arith.addf %dot_general3A_11, %dot_general3A_16 : vector<1000x256xf32>
    %get3A_18 = arith.constant 0 : index
    %get3A_19 = arith.constant 0 : index
    %get3A_20 = vector.load %arg6[%get3A_18, %get3A_19] : memref<1x256xf32, #tpu.memory_space<vmem>>, vector<1x256xf32>
    %add3A_21 = vector.broadcast %get3A_20 : vector<1x256xf32> to vector<1000x256xf32>
    %add3A_22 = arith.addf %add3A_17, %add3A_21 : vector<1000x256xf32>
    %reduce_sum3A = arith.constant dense<0.000000e+00> : vector<1000xf32>
    %reduce_sum3A_23 = vector.multi_reduction <add>, %add3A_22, %reduce_sum3A [1] : vector<1000x256xf32> to vector<1000xf32>
    %broadcast_in_dim3A = vector.shape_cast %reduce_sum3A_23 : vector<1000xf32> to vector<1000x1xf32>
    %div3A = arith.constant 2.560000e+02 : f32
    %div3A_24 = vector.broadcast %div3A : f32 to vector<1000x1xf32>
    %div3A_25 = arith.divf %broadcast_in_dim3A, %div3A_24 : vector<1000x1xf32>
    %sub3A = vector.broadcast %div3A_25 : vector<1000x1xf32> to vector<1000x256xf32>
    %sub3A_26 = arith.subf %add3A_22, %sub3A : vector<1000x256xf32>
    %sub3A_27 = vector.broadcast %div3A_25 : vector<1000x1xf32> to vector<1000x256xf32>
    %sub3A_28 = arith.subf %add3A_22, %sub3A_27 : vector<1000x256xf32>
    %mul3A = arith.mulf %sub3A_26, %sub3A_28 : vector<1000x256xf32>
    %reduce_sum3A_29 = arith.constant dense<0.000000e+00> : vector<1000xf32>
    %reduce_sum3A_30 = vector.multi_reduction <add>, %mul3A, %reduce_sum3A_29 [1] : vector<1000x256xf32> to vector<1000xf32>
    %broadcast_in_dim3A_31 = vector.shape_cast %reduce_sum3A_30 : vector<1000xf32> to vector<1000x1xf32>
    %div3A_32 = arith.constant 2.560000e+02 : f32
    %div3A_33 = vector.broadcast %div3A_32 : f32 to vector<1000x1xf32>
    %div3A_34 = arith.divf %broadcast_in_dim3A_31, %div3A_33 : vector<1000x1xf32>
    %sub3A_35 = vector.broadcast %div3A_25 : vector<1000x1xf32> to vector<1000x256xf32>
    %sub3A_36 = arith.subf %add3A_22, %sub3A_35 : vector<1000x256xf32>
    %add3A_37 = arith.constant 9.99999974E-6 : f32
    %add3A_38 = vector.broadcast %add3A_37 : f32 to vector<1000x1xf32>
    %add3A_39 = arith.addf %div3A_34, %add3A_38 : vector<1000x1xf32>
    %rsqrt3A = math.rsqrt %add3A_39 : vector<1000x1xf32>
    %mul3A_40 = vector.broadcast %rsqrt3A : vector<1000x1xf32> to vector<1000x256xf32>
    %mul3A_41 = arith.mulf %sub3A_36, %mul3A_40 : vector<1000x256xf32>
    %get3A_42 = arith.constant 0 : index
    %get3A_43 = arith.constant 0 : index
    %get3A_44 = vector.load %arg7[%get3A_42, %get3A_43] : memref<1x256xf32, #tpu.memory_space<vmem>>, vector<1x256xf32>
    %mul3A_45 = vector.broadcast %get3A_44 : vector<1x256xf32> to vector<1000x256xf32>
    %mul3A_46 = arith.mulf %mul3A_41, %mul3A_45 : vector<1000x256xf32>
    %get3A_47 = arith.constant 0 : index
    %get3A_48 = arith.constant 0 : index
    %get3A_49 = vector.load %arg8[%get3A_47, %get3A_48] : memref<1x256xf32, #tpu.memory_space<vmem>>, vector<1x256xf32>
    %add3A_50 = vector.broadcast %get3A_49 : vector<1x256xf32> to vector<1000x256xf32>
    %add3A_51 = arith.addf %mul3A_46, %add3A_50 : vector<1000x256xf32>
    %max3A = arith.constant 0.000000e+00 : f32
    %max3A_52 = vector.broadcast %max3A : f32 to vector<1000x256xf32>
    %max3A_53 = arith.maximumf %add3A_51, %max3A_52 : vector<1000x256xf32>
    %get3A_54 = arith.constant 0 : index
    %get3A_55 = arith.constant 0 : index
    %get3A_56 = vector.load %arg9[%get3A_54, %get3A_55] : memref<256x128xf32, #tpu.memory_space<vmem>>, vector<256x128xf32>
    %dot_general3A_57 = arith.constant dense<0.000000e+00> : vector<1000x128xf32>
    %dot_general3A_58 = tpu.matmul %max3A_53, %get3A_56, %dot_general3A_57 {dimension_numbers = #tpu.dot_dimension_numbers<[1], [0], [0], [1], [0, 0, 1, 1], [], []>, precision = #tpu.contract_precision<fp32>, transpose_lhs_hint = false} : vector<1000x256xf32>, vector<256x128xf32>, vector<1000x128xf32> -> vector<1000x128xf32>
    %get3A_59 = arith.constant 0 : index
    %get3A_60 = arith.constant 0 : index
    %get3A_61 = vector.load %arg10[%get3A_59, %get3A_60] : memref<1x128xf32, #tpu.memory_space<vmem>>, vector<1x128xf32>
    %add3A_62 = vector.broadcast %get3A_61 : vector<1x128xf32> to vector<1000x128xf32>
    %add3A_63 = arith.addf %dot_general3A_58, %add3A_62 : vector<1000x128xf32>
    %swap3A = arith.constant 0 : index
    %swap3A_64 = arith.constant 0 : index
    %swap3A_65 = vector.load %arg11[%swap3A, %swap3A_64] : memref<1000x128xf32, #tpu.memory_space<vmem>>, vector<1000x128xf32>
    tpu.vector_store %arg11[%swap3A, %swap3A_64], %add3A_63 {strides = array<i32>} : memref<1000x128xf32, #tpu.memory_space<vmem>>, vector<1000x128xf32>,
    return
  }
  func.func @transform_0(%arg0: i32) -> (i32, i32) {
    %c0_i32 = arith.constant 0 : i32
    %c0_i32_0 = arith.constant 0 : i32
    return %arg0, %c0_i32 : i32, i32
  }
  func.func @transform_1(%arg0: i32) -> (i32, i32) {
    %c0_i32 = arith.constant 0 : i32
    %c0_i32_0 = arith.constant 0 : i32
    return %arg0, %c0_i32 : i32, i32
  }
  func.func @transform_2(%arg0: i32) -> (i32, i32) {
    %c0_i32 = arith.constant 0 : i32
    %c0_i32_0 = arith.constant 0 : i32
    return %arg0, %c0_i32 : i32, i32
  }
  func.func @transform_3(%arg0: i32) -> (i32, i32) {
    %c0_i32 = arith.constant 0 : i32
    %c0_i32_0 = arith.constant 0 : i32
    %c0_i32_1 = arith.constant 0 : i32
    return %c0_i32, %c0_i32_0 : i32, i32
  }
  func.func @transform_4(%arg0: i32) -> (i32, i32) {
    %c0_i32 = arith.constant 0 : i32
    %c0_i32_0 = arith.constant 0 : i32
    %c0_i32_1 = arith.constant 0 : i32
    return %c0_i32, %c0_i32_0 : i32, i32
  }
  func.func @transform_5(%arg0: i32) -> (i32, i32) {
    %c0_i32 = arith.constant 0 : i32
    %c0_i32_0 = arith.constant 0 : i32
    %c0_i32_1 = arith.constant 0 : i32
    return %c0_i32, %c0_i32_0 : i32, i32
  }
  func.func @transform_6(%arg0: i32) -> (i32, i32) {
    %c0_i32 = arith.constant 0 : i32
    %c0_i32_0 = arith.constant 0 : i32
    %c0_i32_1 = arith.constant 0 : i32
    return %c0_i32, %c0_i32_0 : i32, i32
  }
  func.func @transform_7(%arg0: i32) -> (i32, i32) {
    %c0_i32 = arith.constant 0 : i32
    %c0_i32_0 = arith.constant 0 : i32
    %c0_i32_1 = arith.constant 0 : i32
    return %c0_i32, %c0_i32_0 : i32, i32
  }
  func.func @transform_8(%arg0: i32) -> (i32, i32) {
    %c0_i32 = arith.constant 0 : i32
    %c0_i32_0 = arith.constant 0 : i32
    %c0_i32_1 = arith.constant 0 : i32
    return %c0_i32, %c0_i32_0 : i32, i32
  }
  func.func @transform_9(%arg0: i32) -> (i32, i32) {
    %c0_i32 = arith.constant 0 : i32
    %c0_i32_0 = arith.constant 0 : i32
    %c0_i32_1 = arith.constant 0 : i32
    return %c0_i32, %c0_i32_0 : i32, i32
  }
  func.func @transform_10(%arg0: i32) -> (i32, i32) {
    %c0_i32 = arith.constant 0 : i32
    %c0_i32_0 = arith.constant 0 : i32
    return %arg0, %c0_i32 : i32, i32
  }
}

</mosaic_0001>

<sc_bundles>
// kernel: kernel.6.cloned.1.call-start
scs
__scs_entry_jumppad:
0x0: {  	(pc) =	sbr.rel $0x88, $3  }
0x1: {  	(tag) =	ssettag $0x0;
	lr =	simm.s32 $0x1  }
0x2: {  	[smem:$0x3F92] =	sst lr;
	_ =	strace $0xD0000000  }
0x3: {  	_ = 	snop  }
0x4: {  	_ = 	snop  }
0x5: {  	_ = 	snop  }
0x6: {  	_ = 	snop  }
0x7: {  	_ = 	snop  }
__scs_overlays_trampoline_lowered:
0x8: {  	[smem:$0x3FA1] =	sst s0  }
0x9: {  	[smem:$0x3FA2] =	sst s1  }
0xa: {  	[smem:$0x3FA3] =	sst s2  }
0xb: {  	[smem:$0x3FA4] =	sst s3  }
0xc: {  	[smem:$0x3FA5] =	sst s4  }
0xd: {  	[smem:$0x3FA6] =	sst s5  }
0xe: {  	[smem:$0x3FA7] =	sst s6  }
0xf: {  	[smem:$0x3FA8] =	sst s7  }
0x10: {  	[smem:$0x3FA9] =	sst s8  }
0x11: {  	[smem:$0x3FAA] =	sst s9;
	s0 =	simm.s32 @!p0 $0x0  }
0x12: {  	s1 =	sld [smem:$0x3F90];
	s0 =	simm.s32 @p0 $0x1  }
0x13: {  	[smem:$0x3FAB] =	sst s0;
	s0 =	simm.s32 @!p1 $0x0  }
0x14: {  	s2 =	sld [smem:$0x3F8F];
	s0 =	simm.s32 @p1 $0x1  }
0x15: {  	[smem:$0x3FAC] =	sst s0;
	s0 =	simm.s32 @!p2 $0x0  }
0x16: {  	s3 =	sld [smem:$0x3FDB];
	s0 =	simm.s32 @p2 $0x1  }
0x17: {  	s4 =	simm.s32 $0x1BF5;
	[smem:$0x3FAE] =	sst s0  }
0x18: {  	s0 =	sld [smem:$0x3F91];
	_ =	swait.ge [sflag:s4], $0x0  }
0x19: {  	s7 =	sld [smem:$0x3F92]  }
0x1a: {  	s8 =	sadd.s32 $0xFFFFE003, lr  }
0x1b: {  	s9 =	sadd.s32 $0xFFFFFEF7, lr;
	s5 =	simm.s32 $0xFFFFFFFF;
	p2 =	slt.u32 s8, $0xFFFFF086  }
0x1c: {  	p1 =	slt.u32 s9, $0xF7A;
	s5 =	simm.s32 @!p2 $0x0  }
0x1d: {  	s5 =	simm.s32 @p1 $0x1;
	p0 =	seq.s32 s7, s2  }
0x1e: {  	s7 =	smul.u32 @!p0 $0xF7A, s2;
	p2 =	seq.s32 @!p0 s5, $0x0  }
0x1f: {  	s9 =	smul.u32 $0xF7A, s1;
	s8 =	simm.s32 @!p0 $0x1BF5;
	p2 =	por !p2, p0  }
0x20: {  	[sflag:s8] =	ssyncset.s32 @!p0 $0xFFFFF086;
	s6 =	sadd.s32 @!p0 s3, s7;
	s7 =	simm.s32 @!p0 $0x108  }
0x21: {  	s3 =	sadd.s32 s3, s9;
	s6 =	sadd.s32 @!p0 $0x88, s6;
	s7 =	simm.s32 @p2 $0x1082  }
0x22: {  	[simem:s7], [sflag:s8] =	dma.local @!p0 [hbm:s6], $0xF7A  }
0x23: {  	s9 =	sor.u32 $0xD0000000, s2;
	s6 =	simm.s32 $0x108;
	_ =	swait.ge @!p0 [sflag:s8], $0x0  }
0x24: {  	s3 =	sadd.s32 $0x88, s3;
	s6 =	simm.s32 @!p1 $0x1082;
	[sflag:s4] =	ssyncset.s32 $0xFFFFF086  }
0x25: {  	[simem:s6], [sflag:s4] =	dma.local [hbm:s3], $0xF7A  }
0x26: {  	[smem:$0x3F92] =	sst s1;
	(tag) =	ssettag s2;
	_ =	strace s9  }
0x27: {  	s1 =	sld [smem:$0x3FA2]  }
0x28: {  	s2 =	sld [smem:$0x3FA3]  }
0x29: {  	s4 =	sld [smem:$0x3FA5]  }
0x2a: {  	p0 =	seq.s32 s5, $0x0;
	s5 =	sld [smem:$0x3FA6]  }
0x2b: {  	s6 =	sld [smem:$0x3FA7]  }
0x2c: {  	s7 =	sld [smem:$0x3FA8]  }
0x2d: {  	s3 =	simm.s32 $0x108;
	s8 =	sld [smem:$0x3FA9]  }
0x2e: {  	s3 =	simm.s32 @!p0 $0x1082;
	s9 =	sld [smem:$0x3FAA]  }
0x2f: {  	lr =	sadd.s32 s0, s3;
	s0 =	sld [smem:$0x3FA1]  }
0x30: {  	s3 =	sld [smem:$0x3FA4]  }
0x31: {  	[smem:$0x3FAD] =	sst s10  }
0x32: {  	s10 =	sld [smem:$0x3FAB];
	_ =	sdelay $0x3  }
0x33: {  	p0 =	seq.s32 s10, $0x1;
	s10 =	sld [smem:$0x3FAD];
	_ =	sdelay $0x3  }
0x34: {  	[smem:$0x3FAD] =	sst s10  }
0x35: {  	s10 =	sld [smem:$0x3FAC];
	_ =	sdelay $0x3  }
0x36: {  	p1 =	seq.s32 s10, $0x1;
	s10 =	sld [smem:$0x3FAD];
	_ =	sdelay $0x3  }
0x37: {  	[smem:$0x3FAD] =	sst s10  }
0x38: {  	s10 =	sld [smem:$0x3FAE]  }
0x39: {  	_ = 	snop;
	(pc) =	sbr.ind lr, $3  }
0x3a: {  	_ = 	snop  }
0x3b: {  	_ = 	snop  }
0x3c: {  	p2 =	seq.s32 s10, $0x1;
	s10 =	sld [smem:$0x3FAD]  }
0x3d: {  	_ =	shalt  }
0x3e: {  	_ =	shalt  }
0x3f: {  	_ =	shalt  }
0x40: {  	_ =	shalt  }
0x41: {  	_ =	shalt  }
0x42: {  	_ =	shalt  }
0x43: {  	_ =	shalt  }
0x44: {  	_ =	shalt  }
0x45: {  	_ =	shalt  }
0x46: {  	_ =	shalt  }
0x47: {  	_ =	shalt  }
0x48: {  	_ =	shalt  }
0x49: {  	_ =	shalt  }
0x4a: {  	_ =	shalt  }
0x4b: {  	_ =	shalt  }
0x4c: {  	_ =	shalt  }
0x4d: {  	_ =	shalt  }
0x4e: {  	_ =	shalt  }
0x4f: {  	_ =	shalt  }
0x50: {  	_ =	shalt  }
0x51: {  	_ =	shalt  }
0x52: {  	_ =	shalt  }
0x53: {  	_ =	shalt  }
0x54: {  	_ =	shalt  }
0x55: {  	_ =	shalt  }
0x56: {  	_ =	shalt  }
0x57: {  	_ =	shalt  }
0x58: {  	_ =	shalt  }
0x59: {  	_ =	shalt  }
0x5a: {  	_ =	shalt  }
0x5b: {  	_ =	shalt  }
0x5c: {  	_ =	shalt  }
0x5d: {  	_ =	shalt  }
0x5e: {  	_ =	shalt  }
0x5f: {  	_ =	shalt  }
0x60: {  	_ =	shalt  }
0x61: {  	_ =	shalt  }
0x62: {  	_ =	shalt  }
0x63: {  	_ =	shalt  }
0x64: {  	_ =	shalt  }
0x65: {  	_ =	shalt  }
0x66: {  	_ =	shalt  }
0x67: {  	_ =	shalt  }
0x68: {  	_ =	shalt  }
0x69: {  	_ =	shalt  }
0x6a: {  	_ =	shalt  }
0x6b: {  	_ =	shalt  }
0x6c: {  	_ =	shalt  }
0x6d: {  	_ =	shalt  }
0x6e: {  	_ =	shalt  }
0x6f: {  	_ =	shalt  }
0x70: {  	_ =	shalt  }
0x71: {  	_ =	shalt  }
0x72: {  	_ =	shalt  }
0x73: {  	_ =	shalt  }
0x74: {  	_ =	shalt  }
0x75: {  	_ =	shalt  }
0x76: {  	_ =	shalt  }
0x77: {  	_ =	shalt  }
0x78: {  	_ =	shalt  }
0x79: {  	_ =	shalt  }
0x7a: {  	_ =	shalt  }
0x7b: {  	_ =	shalt  }
0x7c: {  	_ =	shalt  }
0x7d: {  	_ =	shalt  }
0x7e: {  	_ =	shalt  }
0x7f: {  	_ =	shalt  }
0x80: {  	_ =	shalt  }
0x81: {  	_ =	shalt  }
0x82: {  	_ =	shalt  }
0x83: {  	_ =	shalt  }
0x84: {  	_ =	shalt  }
0x85: {  	_ =	shalt  }
0x86: {  	_ =	shalt  }
0x87: {  	_ =	shalt  }
.Lfunc_end0:
.L_simem_size_0:
called_computation_lowered:
.L_overlay_start_0:
0x88: {  	s2 =	sld [smem:$0x3FD9]  }
0x89: {  	s3 =	sld [smem:$0x3FFE];
	_ =	sdelay $0x1  }
0x8a: {  	s1 =	srdreg.scid  }
0x8b: {  	s0 =	sand.u32 $0x1, s1  }
0x8c: {  	s14 =	sshll.u32 s0, $0xA;
	s2 =	sadd.s32 s3, s2  }
0x8d: {  	s2 =	sadd.s32 s2, s14  }
0x8e: {  	[smem:$0x3FB9] =	sst s2  }
0x8f: {  	_ = 	snop  }
0x90: {  	s2 =	sld [smem:$0x3FD0];
	_ =	sdelay $0x2  }
0x91: {  	s4 =	simm.s32 $0xA;
	s5 =	simm.s32 $0x10;
	s15 =	sld [smem:$0x3FC9]  }
0x92: {  	[smem:s5], [sflag:s4] =	dma.local [hbm:s2], $0x1  }
0x93: {  	_ =	swait.eq [sflag:s4], $0x1  }
0x94: {  	[sflag:s4] =	ssyncset.done $0x0  }
0x95: {  	[sflag:s4] =	ssyncadd.s32 $0xFFFFFFFF  }
0x96: {  	s16 =	sld [smem:$0x10];
	(tm) =	ssettm $0x1  }
0x97: {  	s17 =	sld [smem:$0x3FFB];
	_ =	sdelay $0x3  }
0x98: {  	_ =	strace s17  }
0x99: {  	s4 =	sld [smem:$0x3FFC];
	_ =	sdelay $0x3  }
0x9a: {  	_ =	strace s4  }
0x9b: {  	s4 =	sld [smem:$0x3FFD];
	_ =	sdelay $0x3  }
0x9c: {  	_ =	strace s4  }
0x9d: {  	_ =	strace $0x8FFFFFFF  }
0x9e: {  	s18 =	sld [smem:$0x3FDB];
	_ =	sdelay $0x1  }
0x9f: {  	s19 =	simm.s32 $_scs_section_size  }
0xa0: {  	s6 =	simm.s32 $_size__tile_overlayer_lowered;
	s7 =	simm.s32 $_tile_overlayer_lowered  }
0xa1: {  	s22 =	simm.s32 $0x1BFF;
	s21 =	sshll.u32 s7, $0x1;
	s4 =	sadd.s32 s19, s18  }
0xa2: {  	s8 =	simm.s32 $0x0;
	s20 =	sshll.u32 s6, $0x1;
	s6 =	sadd.s32 s21, s4  }
0xa3: {  	[timem:s8], [sflag:s22] =	dma.local [hbm:s6], s20  }
0xa4: {  	_ =	swait.ge [sflag:s22], s20  }
0xa5: {  	s5 =	ssub.s32 $0x0, s20;
	[sflag:s22] =	ssyncset.done $0x0  }
0xa6: {  	[sflag:s22] =	ssyncadd.s32 s5;
	_ =	sdelay $0x1  }
0xa7: {  	s23 =	simm.s32 $0x1B8B  }
0xa8: {  	_ =	swait.ge [sflag:s23], $0x1  }
0xa9: {  	[sflag:s23] =	ssyncset.done $0x0  }
0xaa: {  	s25 =	simm.s32 $0x1B8E;
	s24 =	sld [smem:$0x3FFE];
	[sflag:s23] =	ssyncadd.s32 $0xFFFFFFFF  }
0xab: {  	s26 =	simm.s32 $execute0_lowered;
	[smem:$0x3FD2] =	sst s25  }
0xac: {  	s6 =	sshll.u32 s26, $0x1;
	_ =	strace $0x80000046;
	[dreg:$0x1] =	wrdreg $0xFFFFFFFF  }
0xad: {  	s28 =	simm.s32 $_size_execute0_lowered;
	s4 =	sadd.s32 s4, s6;
	[dreg:$0x0] =	wrdreg $0x0  }
0xae: {  	s6 =	sshll.u32 s28, $0x1;
	[dreg:$0x2] =	wrdreg s4  }
0xaf: {  	[dreg:$0x3] =	wrdreg s6  }
0xb0: {  	[dreg:$0x4] =	wrdreg $0xC0  }
0xb1: {  	_ =	task [dreg:s8], $0x5FFFF  }
0xb2: {  	[dreg:$0x1] =	wrdreg $0xFFFFFFFF  }
0xb3: {  	[dreg:$0x0] =	wrdreg $0x60  }
0xb4: {  	[dreg:$0x2] =	wrdreg s16  }
0xb5: {  	[dreg:$0x3] =	wrdreg s24  }
0xb6: {  	[dreg:$0x4] =	wrdreg s15  }
0xb7: {  	[dreg:$0x5] =	wrdreg $0x9  }
0xb8: {  	_ =	task.clear_ibuf [dreg:s8], $0x6FFFF;
	_ =	strace $0x90000046  }
0xb9: {  	s29 =	simm.s32 $0x9;
	_ =	strace $0x80000048  }
0xba: {  	_ =	swait.ge [sflag:s29], $0x1  }
0xbb: {  	[sflag:s29] =	ssyncadd.s32 $0xFFFFFFFF  }
0xbc: {  	_ =	strace $0x90000048  }
0xbd: {  	_ =	sfence  }
0xbe: {  	s30 =	sld [smem:$0x0];
	_ =	sdelay $0x2  }
0xbf: {  	s31 =	sshll.u32 s1, $0xD;
	s1 =	sshrl.u32 s1, $0x2  }
0xc0: {  	s3 =	sand.u32 $0x4000, s31;
	s1 =	sadd.s32 s1, s30  }
0xc1: {  	s0 =	sor.u32 s3, s0;
	s1 =	sshll.u32 s1, $0x11  }
0xc2: {  	s0 =	sor.u32 s1, s0  }
0xc3: {  	s0 =	sadd.s32 $0x8F2B, s0  }
0xc4: {  	[sflag:s0] =	ssyncadd.remote.s32 $0x1  }
0xc5: {  	_ =	sfence.sel $0xFFFF  }
0xc6: {  	[dreg:$0x0] =	wrdreg $0xFFFFFFFF;
	(pc) =	sbr.abs _section_cstart, $3  }
0xc7: {  	[dreg:$0x1] =	wrdreg $0xFFFFFFFF  }
0xc8: {  	_ =	task.clear_ibuf [dreg:s8], $0x2FFFF;
	_ =	strace $0x9FFFFFFF  }
0xc9: {  	(tm) =	ssettm $0x7FFFFFFF  }
tec
execute0_lowered:
.L_overlay_start_1:
0x0: {  	(tag) =	ssettag $0x1  }
0x1: {  	s8 =	rddreg [dreg:$0x0]  }
0x2: {  	s4 =	rddreg [dreg:$0x1]  }
0x3: {  	s2 =	rddreg [dreg:$0x2]  }
0x4: {  	s0 =	rddreg [dreg:$0x3];
	s5 =	srdreg.scid  }
0x5: {  	s1 =	stileid.u32;
	s3 =	simm.s32 $0x0;
	s12 =	simm.s32 $0x100  }
0x6: {  	s13 =	simm.s32 $0x2900;
	s14 =	simm.s32 $0x1;
	s6 =	smul.u32 $0x4E20, s1  }
0x7: {  	s15 =	simm.s32 $0x2;
	s5 =	sand.u32 $0x1, s5;
	s9 =	smul.u32 $0x4E200, s1  }
0x8: {  	s16 =	simm.s32 $0x0;
	[smem:$0x7FF] =	sst s3;
	s7 =	smul.u32 $0x2710, s5  }
0x9: {  	_ =	strace $0x80000047;
	s10 =	ssub.s32 $0x2, s5;
	s5 =	smul.u32 $0x27100, s5  }
0xa: {  	s29 =	sshrl.u32 s10, $0x1;
	s30 =	sadd.s32 s9, s4;
	s6 =	sadd.s32 s7, s6  }
0xb: {  	s9 =	simm.s32 $0x3;
	s7 =	ssub.s32 s10, s29;
	s11 =	sshrl.u32 s6, $0x3  }
0xc: {  	s10 =	simm.s32 $0x80;
	s6 =	sadd.s32 s5, s30;
	s31 =	sadd.s32 s11, s4  }
0xd: {  	s4 =	smax.u32 s7, $0x1;
	s5 =	sadd.s32 $0xC800, s6;
	s6 =	sadd.s32 $0x4EE800, s6  }
0xe: {  	s8 =	sadd.s32 s11, s8;
	s11 =	simm.s32 $0x50;
	s7 =	sadd.s32 $0x2A00, s31  }
.LBB2_1:
0xf: {  	s17 =	sadd.s32 $0x0, s8  }
0x10: {  	[tilespmem:s3], [sflag:$0x3] =	stream.linear.gather [hbm4b:s17+s3], $0x50, $0x38;
	[tilespmem:$0x5100] =	vst v63  }
0x11: {  	_ =	swait.ge [sflag:s9], $0x50  }
0x12: {  	[sflag:s9] =	ssyncset.done $0x0  }
0x13: {  	s31 =	sadd.s32 $0x0, s7;
	[sflag:s9] =	ssyncadd.s32 $0xFFFFFFB0  }
0x14: {  	[tilespmem:s10], [sflag:$0x3] =	stream.linear.gather [hbm4b:s31+s3], $0x50, $0x38;
	[tilespmem:$0x5100] =	vst v63  }
0x15: {  	_ =	swait.ge [sflag:s9], $0x50  }
0x16: {  	[sflag:s9] =	ssyncset.done $0x0  }
0x17: {  	[sflag:s9] =	ssyncadd.s32 $0xFFFFFFB0  }
0x18: {  	[tilespmem:s12], [sflag:$0x1] =	stream.indirect.gather [hbm4b:s2+s11], $0x80, s3, s11, $0xb8;
	[tilespmem:$0x5100] =	vst v63  }
0x19: {  	_ = 	snop  }
0x1a: {  	[tilespmem:s13], [sflag:$0x2] =	stream.indirect.gather [hbm4b:s2+s11], $0x80, s10, s11, $0xb8;
	[tilespmem:$0x5100] =	vst v63  }
0x1b: {  	_ =	swait.ge [sflag:s14], $0x2800  }
0x1c: {  	[sflag:s14] =	ssyncset.done $0x0  }
0x1d: {  	[sflag:s14] =	ssyncadd.s32 $0xFFFFD800  }
0x1e: {  	_ =	swait.ge [sflag:s15], $0x2800  }
0x1f: {  	[sflag:s15] =	ssyncset.done $0x0  }
0x20: {  	[sflag:s15] =	ssyncadd.s32 $0xFFFFD800  }
0x21: {  	[hbm4b:s5+s3] =	stream.linear.scatter [tilespmem:s12], [sflag:$0x3], $0x2800, $0x38;
	[tilespmem:$0x5100] =	vst v63  }
0x22: {  	_ =	swait.ge [sflag:s9], $0x2800  }
0x23: {  	[sflag:s9] =	ssyncset.done $0x0  }
0x24: {  	[sflag:s9] =	ssyncadd.s32 $0xFFFFD800  }
0x25: {  	[hbm4b:s6+s3] =	stream.linear.scatter [tilespmem:s13], [sflag:$0x3], $0x2800, $0x38;
	[tilespmem:$0x5100] =	vst v63  }
0x26: {  	s19 =	simm.s32 $0xA;
	s20 =	simm.s32 $0x14;
	_ =	swait.ge [sflag:s9], $0x2800  }
0x27: {  	s18 =	sadd.s32 $0x500, s5;
	s17 =	sadd.s32 $0x500, s6;
	[sflag:s9] =	ssyncset.done $0x0  }
.LBB2_2:
0x28: {  	s21 =	sadd.s32 s19, s8  }
0x29: {  	[sflag:s9] =	ssyncadd.s32 $0xFFFFD800;
	s22 =	smov.u32 s20;
	s23 =	sadd.s32 $0xA, s20  }
0x2a: {  	[tilespmem:s3], [sflag:$0x3] =	stream.linear.gather [hbm4b:s21+s3], $0x50, $0x38;
	[tilespmem:$0x5100] =	vst v63  }
0x2b: {  	p0 =	sne.s32 s20, $0x4D8;
	_ =	swait.ge [sflag:s9], $0x50  }
0x2c: {  	[sflag:s9] =	ssyncset.done $0x0  }
0x2d: {  	s20 =	sadd.s32 s19, s7;
	s19 =	smov.u32 s22;
	[sflag:s9] =	ssyncadd.s32 $0xFFFFFFB0  }
0x2e: {  	[tilespmem:s10], [sflag:$0x3] =	stream.linear.gather [hbm4b:s20+s3], $0x50, $0x38;
	[tilespmem:$0x5100] =	vst v63  }
0x2f: {  	_ =	swait.ge [sflag:s9], $0x50  }
0x30: {  	[sflag:s9] =	ssyncset.done $0x0  }
0x31: {  	[sflag:s9] =	ssyncadd.s32 $0xFFFFFFB0  }
0x32: {  	[tilespmem:s12], [sflag:$0x1] =	stream.indirect.gather [hbm4b:s2+s11], $0x80, s3, s11, $0xb8;
	[tilespmem:$0x5100] =	vst v63  }
0x33: {  	_ = 	snop  }
0x34: {  	[tilespmem:s13], [sflag:$0x2] =	stream.indirect.gather [hbm4b:s2+s11], $0x80, s10, s11, $0xb8;
	[tilespmem:$0x5100] =	vst v63  }
0x35: {  	_ =	swait.ge [sflag:s14], $0x2800  }
0x36: {  	[sflag:s14] =	ssyncset.done $0x0  }
0x37: {  	[sflag:s14] =	ssyncadd.s32 $0xFFFFD800  }
0x38: {  	_ =	swait.ge [sflag:s15], $0x2800  }
0x39: {  	[sflag:s15] =	ssyncset.done $0x0  }
0x3a: {  	[sflag:s15] =	ssyncadd.s32 $0xFFFFD800  }
0x3b: {  	[hbm4b:s18+s3] =	stream.linear.scatter [tilespmem:s12], [sflag:$0x3], $0x2800, $0x38;
	[tilespmem:$0x5100] =	vst v63  }
0x3c: {  	_ =	swait.ge [sflag:s9], $0x2800  }
.Ltmp0:
0x3d: {  	[sflag:s9] =	ssyncset.done $0x0;
	(pc) =	sbr.rel @p0 .LBB2_2-.Ltmp0, $4  }
0x3e: {  	[sflag:s9] =	ssyncadd.s32 $0xFFFFD800  }
0x3f: {  	[hbm4b:s17+s3] =	stream.linear.scatter [tilespmem:s13], [sflag:$0x3], $0x2800, $0x38;
	[tilespmem:$0x5100] =	vst v63  }
0x40: {  	s20 =	smov.u32 s23;
	_ =	swait.ge [sflag:s9], $0x2800  }
0x41: {  	s18 =	sadd.s32 $0x500, s18;
	s17 =	sadd.s32 $0x500, s17;
	[sflag:s9] =	ssyncset.done $0x0  }
0x42: {  	s20 =	sadd.s32 s19, s8;
	[sflag:s9] =	ssyncadd.s32 $0xFFFFD800  }
0x43: {  	[tilespmem:s3], [sflag:$0x3] =	stream.linear.gather [hbm4b:s20+s3], $0x50, $0x38;
	[tilespmem:$0x5100] =	vst v63  }
0x44: {  	_ =	swait.ge [sflag:s9], $0x50  }
0x45: {  	[sflag:s9] =	ssyncset.done $0x0  }
0x46: {  	s31 =	sadd.s32 s19, s7;
	[sflag:s9] =	ssyncadd.s32 $0xFFFFFFB0  }
0x47: {  	[tilespmem:s10], [sflag:$0x3] =	stream.linear.gather [hbm4b:s31+s3], $0x50, $0x38;
	[tilespmem:$0x5100] =	vst v63  }
0x48: {  	_ =	swait.ge [sflag:s9], $0x50  }
0x49: {  	[sflag:s9] =	ssyncset.done $0x0  }
0x4a: {  	[sflag:s9] =	ssyncadd.s32 $0xFFFFFFB0  }
0x4b: {  	[tilespmem:s12], [sflag:$0x1] =	stream.indirect.gather [hbm4b:s2+s11], $0x80, s3, s11, $0xb8;
	[tilespmem:$0x5100] =	vst v63  }
0x4c: {  	_ = 	snop  }
0x4d: {  	[tilespmem:s13], [sflag:$0x2] =	stream.indirect.gather [hbm4b:s2+s11], $0x80, s10, s11, $0xb8;
	[tilespmem:$0x5100] =	vst v63  }
0x4e: {  	_ =	swait.ge [sflag:s14], $0x2800  }
0x4f: {  	[sflag:s14] =	ssyncset.done $0x0  }
0x50: {  	[sflag:s14] =	ssyncadd.s32 $0xFFFFD800  }
0x51: {  	_ =	swait.ge [sflag:s15], $0x2800  }
0x52: {  	[sflag:s15] =	ssyncset.done $0x0  }
0x53: {  	[sflag:s15] =	ssyncadd.s32 $0xFFFFD800  }
0x54: {  	[hbm4b:s18+s3] =	stream.linear.scatter [tilespmem:s12], [sflag:$0x3], $0x2800, $0x38;
	[tilespmem:$0x5100] =	vst v63  }
0x55: {  	s16 =	sadd.s32 $0x1, s16;
	_ =	swait.ge [sflag:s9], $0x2800  }
0x56: {  	p0 =	sne.s32 s16, s4;
	[sflag:s9] =	ssyncset.done $0x0  }
.Ltmp1:
0x57: {  	[sflag:s9] =	ssyncadd.s32 $0xFFFFD800;
	(pc) =	sbr.rel @p0 .LBB2_1-.Ltmp1, $4  }
0x58: {  	[hbm4b:s17+s3] =	stream.linear.scatter [tilespmem:s13], [sflag:$0x3], $0x2800, $0x38;
	[tilespmem:$0x5100] =	vst v63  }
0x59: {  	_ =	swait.ge [sflag:s9], $0x2800  }
0x5a: {  	[sflag:s9] =	ssyncset.done $0x0  }
0x5b: {  	[sflag:s9] =	ssyncadd.s32 $0xFFFFD800  }
0x5c: {  	_ =	sfence.sel $0x180000  }
0x5d: {  	[bflag:$0x0] =	sbarrier.arrive $0xFFFF  }
0x5e: {  	p0 =	sne.s32 s1, $0x0;
	_ =	strace $0x90000047  }
0x5f: {  	s0 =	sadd.s32 @!p0 $0x100000, s0;
	[bflag:$0x2] =	sbarrier.arrive $0xFFFF  }
0x60: {  	[sflag:s0] =	ssyncadd.tile.s32 @!p0 $0x1;
	_ =	shalt  }
.Lfunc_end2:
_tile_overlayer_lowered:
.L_overlay_start_2:
0x61: {  	(tag) =	ssettag $0x2  }
0x62: {  	s0 =	rddreg [dreg:$0x0];
	s2 =	stileid.u32  }
0x63: {  	s1 =	rddreg [dreg:$0x1];
	p0 =	sne.s32 s2, $0x0  }
0x64: {  	s3 =	rddreg [dreg:$0x2];
	[bflag:$0x3] =	sbarrier.arrive $0xFFFF;
	s2 =	simm.s32 @!p0 $0x1C03  }
0x65: {  	[timem:s3], [sflag:s2] =	dma.local @!p0 [hbm:s0], s1  }
0x66: {  	s0 =	simm.s32 @!p0 $0x3  }
0x67: {  	_ =	swait.ge @!p0 [sflag:s0], s1  }
0x68: {  	s1 =	ssub.s32 @!p0 $0x0, s1;
	[sflag:s0] =	ssyncset.done @!p0 $0x0  }
0x69: {  	[sflag:s0] =	ssyncadd.s32 @!p0 s1  }
0x6a: {  	[bflag:$0x3] =	sbarrier.arrive $0xFFFF  }
0x6b: {  	_ =	shalt  }

// kernel: kernel.9.cloned.1.call-start
scs
__scs_entry_jumppad:
0x0: {  	(pc) =	sbr.rel $0x88, $3  }
0x1: {  	(tag) =	ssettag $0x0;
	lr =	simm.s32 $0x1  }
0x2: {  	[smem:$0x3F92] =	sst lr;
	_ =	strace $0xD0000000  }
0x3: {  	_ = 	snop  }
0x4: {  	_ = 	snop  }
0x5: {  	_ = 	snop  }
0x6: {  	_ = 	snop  }
0x7: {  	_ = 	snop  }
__scs_overlays_trampoline_lowered:
0x8: {  	[smem:$0x3FA1] =	sst s0  }
0x9: {  	[smem:$0x3FA2] =	sst s1  }
0xa: {  	[smem:$0x3FA3] =	sst s2  }
0xb: {  	[smem:$0x3FA4] =	sst s3  }
0xc: {  	[smem:$0x3FA5] =	sst s4  }
0xd: {  	[smem:$0x3FA6] =	sst s5  }
0xe: {  	[smem:$0x3FA7] =	sst s6  }
0xf: {  	[smem:$0x3FA8] =	sst s7  }
0x10: {  	[smem:$0x3FA9] =	sst s8  }
0x11: {  	[smem:$0x3FAA] =	sst s9;
	s0 =	simm.s32 @!p0 $0x0  }
0x12: {  	s1 =	sld [smem:$0x3F90];
	s0 =	simm.s32 @p0 $0x1  }
0x13: {  	[smem:$0x3FAB] =	sst s0;
	s0 =	simm.s32 @!p1 $0x0  }
0x14: {  	s2 =	sld [smem:$0x3F8F];
	s0 =	simm.s32 @p1 $0x1  }
0x15: {  	[smem:$0x3FAC] =	sst s0;
	s0 =	simm.s32 @!p2 $0x0  }
0x16: {  	s3 =	sld [smem:$0x3FDB];
	s0 =	simm.s32 @p2 $0x1  }
0x17: {  	s4 =	simm.s32 $0x1BF5;
	[smem:$0x3FAE] =	sst s0  }
0x18: {  	s0 =	sld [smem:$0x3F91];
	_ =	swait.ge [sflag:s4], $0x0  }
0x19: {  	s7 =	sld [smem:$0x3F92]  }
0x1a: {  	s8 =	sadd.s32 $0xFFFFE003, lr  }
0x1b: {  	s9 =	sadd.s32 $0xFFFFFEF7, lr;
	s5 =	simm.s32 $0xFFFFFFFF;
	p2 =	slt.u32 s8, $0xFFFFF086  }
0x1c: {  	p1 =	slt.u32 s9, $0xF7A;
	s5 =	simm.s32 @!p2 $0x0  }
0x1d: {  	s5 =	simm.s32 @p1 $0x1;
	p0 =	seq.s32 s7, s2  }
0x1e: {  	s7 =	smul.u32 @!p0 $0xF7A, s2;
	p2 =	seq.s32 @!p0 s5, $0x0  }
0x1f: {  	s9 =	smul.u32 $0xF7A, s1;
	s8 =	simm.s32 @!p0 $0x1BF5;
	p2 =	por !p2, p0  }
0x20: {  	[sflag:s8] =	ssyncset.s32 @!p0 $0xFFFFF086;
	s6 =	sadd.s32 @!p0 s3, s7;
	s7 =	simm.s32 @!p0 $0x108  }
0x21: {  	s3 =	sadd.s32 s3, s9;
	s6 =	sadd.s32 @!p0 $0x88, s6;
	s7 =	simm.s32 @p2 $0x1082  }
0x22: {  	[simem:s7], [sflag:s8] =	dma.local @!p0 [hbm:s6], $0xF7A  }
0x23: {  	s9 =	sor.u32 $0xD0000000, s2;
	s6 =	simm.s32 $0x108;
	_ =	swait.ge @!p0 [sflag:s8], $0x0  }
0x24: {  	s3 =	sadd.s32 $0x88, s3;
	s6 =	simm.s32 @!p1 $0x1082;
	[sflag:s4] =	ssyncset.s32 $0xFFFFF086  }
0x25: {  	[simem:s6], [sflag:s4] =	dma.local [hbm:s3], $0xF7A  }
0x26: {  	[smem:$0x3F92] =	sst s1;
	(tag) =	ssettag s2;
	_ =	strace s9  }
0x27: {  	s1 =	sld [smem:$0x3FA2]  }
0x28: {  	s2 =	sld [smem:$0x3FA3]  }
0x29: {  	s4 =	sld [smem:$0x3FA5]  }
0x2a: {  	p0 =	seq.s32 s5, $0x0;
	s5 =	sld [smem:$0x3FA6]  }
0x2b: {  	s6 =	sld [smem:$0x3FA7]  }
0x2c: {  	s7 =	sld [smem:$0x3FA8]  }
0x2d: {  	s3 =	simm.s32 $0x108;
	s8 =	sld [smem:$0x3FA9]  }
0x2e: {  	s3 =	simm.s32 @!p0 $0x1082;
	s9 =	sld [smem:$0x3FAA]  }
0x2f: {  	lr =	sadd.s32 s0, s3;
	s0 =	sld [smem:$0x3FA1]  }
0x30: {  	s3 =	sld [smem:$0x3FA4]  }
0x31: {  	[smem:$0x3FAD] =	sst s10  }
0x32: {  	s10 =	sld [smem:$0x3FAB];
	_ =	sdelay $0x3  }
0x33: {  	p0 =	seq.s32 s10, $0x1;
	s10 =	sld [smem:$0x3FAD];
	_ =	sdelay $0x3  }
0x34: {  	[smem:$0x3FAD] =	sst s10  }
0x35: {  	s10 =	sld [smem:$0x3FAC];
	_ =	sdelay $0x3  }
0x36: {  	p1 =	seq.s32 s10, $0x1;
	s10 =	sld [smem:$0x3FAD];
	_ =	sdelay $0x3  }
0x37: {  	[smem:$0x3FAD] =	sst s10  }
0x38: {  	s10 =	sld [smem:$0x3FAE]  }
0x39: {  	_ = 	snop;
	(pc) =	sbr.ind lr, $3  }
0x3a: {  	_ = 	snop  }
0x3b: {  	_ = 	snop  }
0x3c: {  	p2 =	seq.s32 s10, $0x1;
	s10 =	sld [smem:$0x3FAD]  }
0x3d: {  	_ =	shalt  }
0x3e: {  	_ =	shalt  }
0x3f: {  	_ =	shalt  }
0x40: {  	_ =	shalt  }
0x41: {  	_ =	shalt  }
0x42: {  	_ =	shalt  }
0x43: {  	_ =	shalt  }
0x44: {  	_ =	shalt  }
0x45: {  	_ =	shalt  }
0x46: {  	_ =	shalt  }
0x47: {  	_ =	shalt  }
0x48: {  	_ =	shalt  }
0x49: {  	_ =	shalt  }
0x4a: {  	_ =	shalt  }
0x4b: {  	_ =	shalt  }
0x4c: {  	_ =	shalt  }
0x4d: {  	_ =	shalt  }
0x4e: {  	_ =	shalt  }
0x4f: {  	_ =	shalt  }
0x50: {  	_ =	shalt  }
0x51: {  	_ =	shalt  }
0x52: {  	_ =	shalt  }
0x53: {  	_ =	shalt  }
0x54: {  	_ =	shalt  }
0x55: {  	_ =	shalt  }
0x56: {  	_ =	shalt  }
0x57: {  	_ =	shalt  }
0x58: {  	_ =	shalt  }
0x59: {  	_ =	shalt  }
0x5a: {  	_ =	shalt  }
0x5b: {  	_ =	shalt  }
0x5c: {  	_ =	shalt  }
0x5d: {  	_ =	shalt  }
0x5e: {  	_ =	shalt  }
0x5f: {  	_ =	shalt  }
0x60: {  	_ =	shalt  }
0x61: {  	_ =	shalt  }
0x62: {  	_ =	shalt  }
0x63: {  	_ =	shalt  }
0x64: {  	_ =	shalt  }
0x65: {  	_ =	shalt  }
0x66: {  	_ =	shalt  }
0x67: {  	_ =	shalt  }
0x68: {  	_ =	shalt  }
0x69: {  	_ =	shalt  }
0x6a: {  	_ =	shalt  }
0x6b: {  	_ =	shalt  }
0x6c: {  	_ =	shalt  }
0x6d: {  	_ =	shalt  }
0x6e: {  	_ =	shalt  }
0x6f: {  	_ =	shalt  }
0x70: {  	_ =	shalt  }
0x71: {  	_ =	shalt  }
0x72: {  	_ =	shalt  }
0x73: {  	_ =	shalt  }
0x74: {  	_ =	shalt  }
0x75: {  	_ =	shalt  }
0x76: {  	_ =	shalt  }
0x77: {  	_ =	shalt  }
0x78: {  	_ =	shalt  }
0x79: {  	_ =	shalt  }
0x7a: {  	_ =	shalt  }
0x7b: {  	_ =	shalt  }
0x7c: {  	_ =	shalt  }
0x7d: {  	_ =	shalt  }
0x7e: {  	_ =	shalt  }
0x7f: {  	_ =	shalt  }
0x80: {  	_ =	shalt  }
0x81: {  	_ =	shalt  }
0x82: {  	_ =	shalt  }
0x83: {  	_ =	shalt  }
0x84: {  	_ =	shalt  }
0x85: {  	_ =	shalt  }
0x86: {  	_ =	shalt  }
0x87: {  	_ =	shalt  }
.Lfunc_end0:
.L_simem_size_0:
called_computation.1_lowered:
.L_overlay_start_0:
0x88: {  	s2 =	sld [smem:$0x3FD9]  }
0x89: {  	s3 =	sld [smem:$0x3FFE];
	_ =	sdelay $0x1  }
0x8a: {  	s1 =	srdreg.scid  }
0x8b: {  	s0 =	sand.u32 $0x1, s1  }
0x8c: {  	s14 =	sshll.u32 s0, $0xA;
	s2 =	sadd.s32 s3, s2  }
0x8d: {  	s2 =	sadd.s32 s2, s14  }
0x8e: {  	[smem:$0x3FB9] =	sst s2  }
0x8f: {  	_ = 	snop  }
0x90: {  	s2 =	sld [smem:$0x3FD0];
	_ =	sdelay $0x2  }
0x91: {  	s15 =	simm.s32 $0xA;
	s4 =	simm.s32 $0x10  }
0x92: {  	[smem:s4], [sflag:s15] =	dma.local [hbm:s2], $0x1  }
0x93: {  	_ =	swait.eq [sflag:s15], $0x1  }
0x94: {  	[sflag:s15] =	ssyncset.done $0x0  }
0x95: {  	[sflag:s15] =	ssyncadd.s32 $0xFFFFFFFF  }
0x96: {  	s16 =	sld [smem:$0x11];
	(tm) =	ssettm $0x1  }
0x97: {  	s17 =	sld [smem:$0x3FFB];
	_ =	sdelay $0x3  }
0x98: {  	_ =	strace s17  }
0x99: {  	s3 =	sld [smem:$0x3FFC];
	_ =	sdelay $0x3  }
0x9a: {  	_ =	strace s3  }
0x9b: {  	s3 =	sld [smem:$0x3FFD];
	_ =	sdelay $0x3  }
0x9c: {  	_ =	strace s3  }
0x9d: {  	_ =	strace $0x8FFFFFFF  }
0x9e: {  	s18 =	sld [smem:$0x3FDB];
	_ =	sdelay $0x1  }
0x9f: {  	s19 =	simm.s32 $_scs_section_size  }
0xa0: {  	s5 =	simm.s32 $_size__tile_overlayer_lowered;
	s6 =	simm.s32 $_tile_overlayer_lowered  }
0xa1: {  	s22 =	simm.s32 $0x1BFF;
	s21 =	sshll.u32 s6, $0x1;
	s3 =	sadd.s32 s19, s18  }
0xa2: {  	s7 =	simm.s32 $0x0;
	s20 =	sshll.u32 s5, $0x1;
	s5 =	sadd.s32 s21, s3  }
0xa3: {  	[timem:s7], [sflag:s22] =	dma.local [hbm:s5], s20  }
0xa4: {  	_ =	swait.ge [sflag:s22], s20  }
0xa5: {  	s4 =	ssub.s32 $0x0, s20;
	[sflag:s22] =	ssyncset.done $0x0  }
0xa6: {  	[sflag:s22] =	ssyncadd.s32 s4;
	_ =	sdelay $0x1  }
0xa7: {  	s23 =	simm.s32 $0x1B8B  }
0xa8: {  	_ =	swait.ge [sflag:s23], $0x1  }
0xa9: {  	[sflag:s23] =	ssyncset.done $0x0  }
0xaa: {  	s25 =	simm.s32 $0x1B8E;
	s24 =	sld [smem:$0x3FFE];
	[sflag:s23] =	ssyncadd.s32 $0xFFFFFFFF  }
0xab: {  	s26 =	simm.s32 $execute0_lowered;
	[smem:$0x3FD2] =	sst s25  }
0xac: {  	s5 =	sshll.u32 s26, $0x1;
	_ =	strace $0x80000049;
	[dreg:$0x1] =	wrdreg $0xFFFFFFFF  }
0xad: {  	s28 =	simm.s32 $_size_execute0_lowered;
	s3 =	sadd.s32 s3, s5;
	[dreg:$0x0] =	wrdreg $0x0  }
0xae: {  	s5 =	sshll.u32 s28, $0x1;
	[dreg:$0x2] =	wrdreg s3  }
0xaf: {  	[dreg:$0x3] =	wrdreg s5  }
0xb0: {  	[dreg:$0x4] =	wrdreg $0xC0  }
0xb1: {  	_ =	task [dreg:s7], $0x5FFFF  }
0xb2: {  	[dreg:$0x1] =	wrdreg $0xFFFFFFFF  }
0xb3: {  	[dreg:$0x0] =	wrdreg $0x60  }
0xb4: {  	[dreg:$0x2] =	wrdreg s24  }
0xb5: {  	[dreg:$0x3] =	wrdreg s16  }
0xb6: {  	[dreg:$0x4] =	wrdreg $0x28800  }
0xb7: {  	[dreg:$0x5] =	wrdreg $0x9  }
0xb8: {  	_ =	task.clear_ibuf [dreg:s7], $0x6FFFF;
	_ =	strace $0x90000049  }
0xb9: {  	s29 =	simm.s32 $0x9;
	_ =	strace $0x8000004B  }
0xba: {  	_ =	swait.ge [sflag:s29], $0x1  }
0xbb: {  	[sflag:s29] =	ssyncadd.s32 $0xFFFFFFFF  }
0xbc: {  	_ =	strace $0x9000004B  }
0xbd: {  	_ =	sfence  }
0xbe: {  	s30 =	sld [smem:$0x0];
	_ =	sdelay $0x2  }
0xbf: {  	s31 =	sshll.u32 s1, $0xD;
	s1 =	sshrl.u32 s1, $0x2  }
0xc0: {  	s3 =	sand.u32 $0x4000, s31;
	s1 =	sadd.s32 s1, s30  }
0xc1: {  	s0 =	sor.u32 s3, s0;
	s1 =	sshll.u32 s1, $0x11  }
0xc2: {  	s0 =	sor.u32 s1, s0  }
0xc3: {  	s0 =	sadd.s32 $0x8F2B, s0  }
0xc4: {  	[sflag:s0] =	ssyncadd.remote.s32 $0x1  }
0xc5: {  	_ =	sfence.sel $0xFFFF  }
0xc6: {  	[dreg:$0x0] =	wrdreg $0xFFFFFFFF;
	(pc) =	sbr.abs _section_cstart, $3  }
0xc7: {  	[dreg:$0x1] =	wrdreg $0xFFFFFFFF  }
0xc8: {  	_ =	task.clear_ibuf [dreg:s7], $0x2FFFF;
	_ =	strace $0x9FFFFFFF  }
0xc9: {  	(tm) =	ssettm $0x7FFFFFFF  }
tec
execute0_lowered:
.L_overlay_start_1:
0x0: {  	(tag) =	ssettag $0x1  }
0x1: {  	s0 =	stileid.u32  }
0x2: {  	s4 =	rddreg [dreg:$0x0];
	s7 =	smul.u32 $0x4E20, s0  }
0x3: {  	s1 =	srdreg.scid;
	s9 =	smul.u32 $0x14000, s0  }
0x4: {  	s6 =	rddreg [dreg:$0x1];
	s11 =	smul.u32 $0x50000, s0  }
0x5: {  	s2 =	rddreg [dreg:$0x2];
	s5 =	sand.u32 $0x1, s1;
	s31 =	smul.u32 $0x4E200, s0  }
0x6: {  	s3 =	simm.s32 $0x0;
	s1 =	rddreg [dreg:$0x3];
	s8 =	smul.u32 $0x2710, s5  }
0x7: {  	[smem:$0x7FF] =	sst s3;
	s13 =	sshll.u32 s0, $0x6;
	s25 =	smul.u32 $0x140000, s5  }
0x8: {  	_ =	strace $0x8000004A;
	s28 =	ssub.s32 $0x2, s5;
	s14 =	smul.u32 $0x27100, s5  }
0x9: {  	s5 =	sor.u32 $0x1C01, s13;
	s13 =	simm.s32 $0x50;
	s26 =	sshrl.u32 s9, $0x3  }
0xa: {  	s29 =	sshrl.u32 s28, $0x1;
	s30 =	sshrl.u32 s11, $0x2;
	s11 =	sadd.s32 s31, s6  }
0xb: {  	s7 =	sadd.s32 s8, s7;
	s8 =	sadd.s32 s9, s25;
	s9 =	ssub.s32 s28, s29  }
0xc: {  	s12 =	sadd.s32 s30, s2;
	s7 =	sshrl.u32 s7, $0x3;
	s8 =	sshrl.u32 s8, $0x3  }
0xd: {  	s10 =	sadd.s32 s7, s4;
	s7 =	sadd.s32 s26, s4;
	s8 =	sadd.s32 s8, s4  }
0xe: {  	s4 =	sadd.s32 $0xC800, s7;
	s6 =	sadd.s32 $0x34800, s8;
	s7 =	smax.u32 s9, $0x1  }
0xf: {  	s8 =	sadd.s32 s14, s11;
	s9 =	sadd.s32 $0x2A00, s10;
	s10 =	sshrl.u32 s12, $0x3  }
0x10: {  	s11 =	simm.s32 $0x1;
	s12 =	simm.s32 $0x80;
	s14 =	simm.s32 $0x0  }
.LBB2_1:
0x11: {  	[spmem:s10], [sflag:s5] =	dma.local [hbm:s4], $0x2800  }
0x12: {  	_ =	swait.ge [sflag:s11], $0x2800  }
0x13: {  	[sflag:s11] =	ssyncset.done $0x0  }
0x14: {  	[sflag:s11] =	ssyncadd.s32 $0xFFFFD800  }
0x15: {  	s15 =	sadd.s32 $0x0, s9;
	[bflag:$0x0] =	sbarrier.arrive $0xFFFF  }
0x16: {  	[tilespmem:s3], [sflag:$0x1] =	stream.linear.gather [hbm4b:s15+s3], $0x50, $0x38;
	[tilespmem:$0x16880] =	vst v63  }
0x17: {  	_ =	swait.ge [sflag:s11], $0x50  }
0x18: {  	[sflag:s11] =	ssyncset.done $0x0  }
0x19: {  	[sflag:s11] =	ssyncadd.s32 $0xFFFFFFB0  }
0x1a: {  	[tilespmem:s12], [sflag:$0x1] =	stream.linear.gather [hbm4b:s8+s3], $0x2800, $0x38;
	[tilespmem:$0x16880] =	vst v63  }
0x1b: {  	_ =	swait.ge [sflag:s11], $0x2800  }
0x1c: {  	[sflag:s11] =	ssyncset.done $0x0  }
0x1d: {  	[sflag:s11] =	ssyncadd.s32 $0xFFFFD800  }
0x1e: {  	[spmem:s2] =	stream.indirect.scatter.add.f32 [tilespmem:s12], [sflag:$0x1], $0x80, s3, s13, $0xb8;
	[tilespmem:$0x16880] =	vst v63  }
0x1f: {  	s16 =	simm.s32 $0xA;
	_ =	swait.ge [sflag:s11], $0x2800  }
0x20: {  	s17 =	simm.s32 $0x14;
	s15 =	sadd.s32 $0x500, s8;
	[sflag:s11] =	ssyncset.done $0x0  }
.LBB2_2:
0x21: {  	s18 =	sadd.s32 s16, s9  }
0x22: {  	[sflag:s11] =	ssyncadd.s32 $0xFFFFD800;
	s16 =	smov.u32 s17;
	s19 =	sadd.s32 $0xA, s17  }
0x23: {  	[tilespmem:s3], [sflag:$0x1] =	stream.linear.gather [hbm4b:s18+s3], $0x50, $0x38;
	[tilespmem:$0x16880] =	vst v63  }
0x24: {  	p0 =	sne.s32 s17, $0x4D8;
	_ =	swait.ge [sflag:s11], $0x50  }
0x25: {  	[sflag:s11] =	ssyncset.done $0x0  }
0x26: {  	[sflag:s11] =	ssyncadd.s32 $0xFFFFFFB0  }
0x27: {  	[tilespmem:s12], [sflag:$0x1] =	stream.linear.gather [hbm4b:s15+s3], $0x2800, $0x38;
	[tilespmem:$0x16880] =	vst v63  }
0x28: {  	_ =	swait.ge [sflag:s11], $0x2800  }
.Ltmp0:
0x29: {  	[sflag:s11] =	ssyncset.done $0x0;
	(pc) =	sbr.rel @p0 .LBB2_2-.Ltmp0, $4  }
0x2a: {  	[sflag:s11] =	ssyncadd.s32 $0xFFFFD800  }
0x2b: {  	[spmem:s2] =	stream.indirect.scatter.add.f32 [tilespmem:s12], [sflag:$0x1], $0x80, s3, s13, $0xb8;
	[tilespmem:$0x16880] =	vst v63  }
0x2c: {  	_ =	swait.ge [sflag:s11], $0x2800  }
0x2d: {  	s17 =	smov.u32 s19;
	s15 =	sadd.s32 $0x500, s15;
	[sflag:s11] =	ssyncset.done $0x0  }
0x2e: {  	s16 =	sadd.s32 s16, s9;
	[sflag:s11] =	ssyncadd.s32 $0xFFFFD800  }
0x2f: {  	[tilespmem:s3], [sflag:$0x1] =	stream.linear.gather [hbm4b:s16+s3], $0x50, $0x38;
	[tilespmem:$0x16880] =	vst v63  }
0x30: {  	_ =	swait.ge [sflag:s11], $0x50  }
0x31: {  	[sflag:s11] =	ssyncset.done $0x0  }
0x32: {  	[sflag:s11] =	ssyncadd.s32 $0xFFFFFFB0  }
0x33: {  	[tilespmem:s12], [sflag:$0x1] =	stream.linear.gather [hbm4b:s15+s3], $0x2800, $0x38;
	[tilespmem:$0x16880] =	vst v63  }
0x34: {  	_ =	swait.ge [sflag:s11], $0x2800  }
0x35: {  	[sflag:s11] =	ssyncset.done $0x0  }
0x36: {  	[sflag:s11] =	ssyncadd.s32 $0xFFFFD800  }
0x37: {  	[spmem:s2] =	stream.indirect.scatter.add.f32 [tilespmem:s12], [sflag:$0x1], $0x80, s3, s13, $0xb8;
	[tilespmem:$0x16880] =	vst v63  }
0x38: {  	_ =	swait.ge [sflag:s11], $0x2800  }
0x39: {  	s14 =	sadd.s32 $0x1, s14;
	[sflag:s11] =	ssyncset.done $0x0  }
0x3a: {  	p0 =	sne.s32 s14, s7;
	[sflag:s11] =	ssyncadd.s32 $0xFFFFD800  }
.Ltmp1:
0x3b: {  	[bflag:$0x0] =	sbarrier.arrive $0xFFFF;
	(pc) =	sbr.rel @p0 .LBB2_1-.Ltmp1, $4  }
0x3c: {  	[hbm:s6], [sflag:s5] =	dma.local [spmem:s10], $0x2800  }
0x3d: {  	_ =	swait.ge [sflag:s11], $0x2800  }
0x3e: {  	[sflag:s11] =	ssyncset.done $0x0  }
0x3f: {  	[sflag:s11] =	ssyncadd.s32 $0xFFFFD800  }
0x40: {  	_ =	sfence.sel $0x180000  }
0x41: {  	[bflag:$0x0] =	sbarrier.arrive $0xFFFF  }
0x42: {  	p0 =	sne.s32 s0, $0x0;
	_ =	strace $0x9000004A  }
0x43: {  	s0 =	sadd.s32 @!p0 $0x100000, s1;
	[bflag:$0x2] =	sbarrier.arrive $0xFFFF  }
0x44: {  	[sflag:s0] =	ssyncadd.tile.s32 @!p0 $0x1;
	_ =	shalt  }
.Lfunc_end2:
_tile_overlayer_lowered:
.L_overlay_start_2:
0x45: {  	(tag) =	ssettag $0x2  }
0x46: {  	s0 =	rddreg [dreg:$0x0];
	s2 =	stileid.u32  }
0x47: {  	s1 =	rddreg [dreg:$0x1];
	p0 =	sne.s32 s2, $0x0  }
0x48: {  	s3 =	rddreg [dreg:$0x2];
	[bflag:$0x3] =	sbarrier.arrive $0xFFFF;
	s2 =	simm.s32 @!p0 $0x1C01  }
0x49: {  	[timem:s3], [sflag:s2] =	dma.local @!p0 [hbm:s0], s1  }
0x4a: {  	s0 =	simm.s32 @!p0 $0x1  }
0x4b: {  	_ =	swait.ge @!p0 [sflag:s0], s1  }
0x4c: {  	s1 =	ssub.s32 @!p0 $0x0, s1;
	[sflag:s0] =	ssyncset.done @!p0 $0x0  }
0x4d: {  	[sflag:s0] =	ssyncadd.s32 @!p0 s1  }
0x4e: {  	[bflag:$0x3] =	sbarrier.arrive $0xFFFF  }
0x4f: {  	_ =	shalt  }

</sc_bundles>
